<compile_context>
chip_gen: v7x
topology: tpu7x:2x2x1
jax: 0.10.2.dev20260603
libtpu: 0.0.44.dev20260713+nightly
codegen_flags: <defaults>
</compile_context>

<pallas_src>
import functools

import jax
import jax.numpy as jnp
from jax import lax
from jax.experimental import pallas as pl
from jax.experimental.pallas import tpu as pltpu
from jax.experimental.pallas import tpu_sc as plsc

NUM_ACTIONS = 1000000
N_EMBED = 32
BATCH = 16384
HIST = 50

NC, NS = 2, 16
NW = NC * NS
N_PER_W = BATCH // NW
NB = 128
NBLK = N_PER_W // NB
NPAIR = HIST // 2

_mesh = plsc.VectorSubcoreMesh(core_axis_name="c", subcore_axis_name="s")


@functools.partial(
    pl.kernel,
    mesh=_mesh,
    out_type=jax.ShapeDtypeStruct((HIST, N_EMBED, BATCH), jnp.float32),
    scratch_types=[
        pltpu.VMEM((HIST, NB), jnp.int32),
        pltpu.VMEM((HIST, NB), jnp.int32),
        pltpu.VMEM((HIST, NB), jnp.int32),
        pltpu.VMEM((NB, 128), jnp.float32),
        pltpu.VMEM((NB, 128), jnp.float32),
        pltpu.VMEM((N_EMBED, NB), jnp.float32),
        pltpu.VMEM((N_EMBED, NB), jnp.float32),
        pltpu.SemaphoreType.DMA,
        pltpu.SemaphoreType.DMA,
        pltpu.SemaphoreType.DMA,
        pltpu.SemaphoreType.DMA,
    ],
    compiler_params=pltpu.CompilerParams(
        use_tc_tiling_on_sc=True, needs_layout_passes=False),
)
def _gather_kernel(xt_hbm, tab4_hbm, out_hbm, xt_v, idx4_v, rem32_v,
                   g0, g1, d0, d1, gsem0, gsem1, ssem0, ssem1):
    wid = lax.axis_index("s") * NC + lax.axis_index("c")
    nbase = wid * N_PER_W
    bufs = ((g0, d0, gsem0, ssem0), (g1, d1, gsem1, ssem1))
    lanes = lax.iota(jnp.int32, 16)

    def extract(g_v, d_v, h):
        for g in range(8):
            lvec = lanes + (16 * g)
            cols0 = rem32_v[h, pl.ds(16 * g, 16)]

            def e_body(e, carry):
                vals = plsc.load_gather(g_v, [lvec, cols0 + e])
                d_v[e, pl.ds(16 * g, 16)] = vals
                return carry

            lax.fori_loop(0, N_EMBED, e_body, 0)

    def nblk_body(nblk, carry):
        n0 = nbase + nblk * NB
        pltpu.sync_copy(xt_hbm.at[:, pl.ds(n0, NB)], xt_v)
        def prep_body(h, carry):
            for g in range(8):
                v = xt_v[h, pl.ds(16 * g, 16)]
                idx4_v[h, pl.ds(16 * g, 16)] = v >> 2
                rem32_v[h, pl.ds(16 * g, 16)] = (v & 3) << 5
            return carry

        lax.fori_loop(0, HIST, prep_body, 0)

        pltpu.async_copy(tab4_hbm.at[idx4_v.at[0]], g0, gsem0)
        pltpu.async_copy(tab4_hbm.at[idx4_v.at[1]], g1, gsem1)

        def pair_body(j, carry):
            for b, (g_v, d_v, gsem, ssem) in enumerate(bufs):
                h = 2 * j + b

                @pl.when(j >= 1)
                def _reclaim_d():
                    pltpu.make_async_copy(
                        d_v, out_hbm.at[0, :, pl.ds(n0, NB)], ssem).wait()

                pltpu.make_async_copy(
                    tab4_hbm.at[idx4_v.at[h]], g_v, gsem).wait()
                extract(g_v, d_v, h)
                pltpu.async_copy(
                    d_v, out_hbm.at[h, :, pl.ds(n0, NB)], ssem)

                @pl.when(h + 2 < HIST)
                def _next_gather():
                    pltpu.async_copy(
                        tab4_hbm.at[idx4_v.at[h + 2]], g_v, gsem)
            return carry

        lax.fori_loop(0, NPAIR, pair_body, 0)
        for _, d_v, _, ssem in bufs:
            pltpu.make_async_copy(
                d_v, out_hbm.at[0, :, pl.ds(n0, NB)], ssem).wait()
        return carry

    lax.fori_loop(0, NBLK, nblk_body, 0)


def kernel(x, table):
    xt = x.T.astype(jnp.int32)
    tab4 = table.reshape(NUM_ACTIONS // 4, 128)
    out_t = _gather_kernel(xt, tab4)
    return jnp.transpose(out_t, (2, 0, 1))

# --- scband reference (transcript-rebuilt; emitter-appended) ---
"""Pipeline reference for scband-action-processor-29523605192779 (READ-ONLY COPY).

The authoritative reference and input builder live on the scoring server;
editing this copy changes nothing except your own understanding.
"""

import jax, jax.numpy as jnp
import numpy as np

NUM_ACTIONS = 1000000
N_EMBED = 32
BATCH = 16384
HIST = 50

def setup_inputs(seed: int = 0) -> dict:
    key = jax.random.key(seed)
    k_idx, k_tab = jax.random.split(key)
    x = jax.random.randint(k_idx, (BATCH, HIST), 0, NUM_ACTIONS, dtype=jnp.int64 if jax.config.jax_enable_x64 else jnp.int32)
    table = jax.random.normal(k_tab, (NUM_ACTIONS, N_EMBED), dtype=jnp.float32)
    return {"x": x, "table": table}

def reference(x, table):
    # nn.Embedding forward: gather rows of the embedding table
    return jnp.take(table, x, axis=0)

if __name__ == "__main__":
    import jax
    _d = setup_inputs()
    print(jax.jit(kernel)(*tuple(_d.values())))

</pallas_src>

<mosaic_0001>
#map = affine_map<(d0, d1) -> (0, 0)>
#map1 = affine_map<(d0, d1) -> (0, 0, 0)>
module attributes {stable_mosaic.version = 14 : i64} {
  func.func @_gather_kernel(%arg0: i32, %arg1: i32, %arg2: memref<50x16384xi32, #tpu.memory_space<hbm>>, %arg3: memref<250000x128xf32, #tpu.memory_space<hbm>>, %arg4: memref<50x32x16384xf32, #tpu.memory_space<hbm>>, %arg5: memref<50x128xi32, #tpu.memory_space<vmem>>, %arg6: memref<50x128xi32, #tpu.memory_space<vmem>>, %arg7: memref<50x128xi32, #tpu.memory_space<vmem>>, %arg8: memref<128x128xf32, #tpu.memory_space<vmem>>, %arg9: memref<128x128xf32, #tpu.memory_space<vmem>>, %arg10: memref<32x128xf32, #tpu.memory_space<vmem>>, %arg11: memref<32x128xf32, #tpu.memory_space<vmem>>, %arg12: memref<!tpu.dma_semaphore, #tpu.memory_space<semaphore_mem>>, %arg13: memref<!tpu.dma_semaphore, #tpu.memory_space<semaphore_mem>>, %arg14: memref<!tpu.dma_semaphore, #tpu.memory_space<semaphore_mem>>, %arg15: memref<!tpu.dma_semaphore, #tpu.memory_space<semaphore_mem>>) attributes {dimension_semantics = [#tpu.dimension_semantics<core_parallel>, #tpu.dimension_semantics<subcore_parallel>], iteration_bounds = array<i64: 2, 16>, scalar_prefetch = 0 : i64, scratch_operands = 11 : i64, tpu.core_type = #tpu.core_type<sc_vector_subcore>, window_params = [{transform_indices = #map}, {transform_indices = #map}, {transform_indices = #map1}]} {
    %mul3A = arith.constant 2 : i32
    %mul3A_0 = arith.muli %arg1, %mul3A : i32
    %add3A = arith.addi %mul3A_0, %arg0 : i32
    %mul3A_1 = arith.constant 512 : i32
    %mul3A_2 = arith.muli %add3A, %mul3A_1 : i32
    %iota3A = tpu.iota {dimensions = array<i32: 0>} : vector<16xi32>
    %scan3A = arith.constant 0 : i32
    %scan3A_3 = arith.constant 0 : i32
    %scan3A_4 = arith.constant 4 : i32
    %scan3A_5 = arith.addi %scan3A_3, %scan3A_4 : i32
    %scan3A_6 = arith.constant 1 : i32
    scf.for %scan3A_8 = %scan3A_3 to %scan3A_5 step %scan3A_6  : i32 {
      %mul3A_9 = arith.constant 128 : i32
      %mul3A_10 = arith.muli %scan3A_8, %mul3A_9 : i32
      %add3A_11 = arith.addi %mul3A_2, %mul3A_10 : i32
      "tpu.region"() ({
        %run_scoped3A = tpu.sem_alloc : memref<!tpu.dma_semaphore, #tpu.memory_space<semaphore_mem>>
        %dma_start3A_50 = arith.constant 0 : i32
        %dma_start3A_51 = tpu.memref_slice %arg2[%dma_start3A_50, %add3A_11] : memref<50x16384xi32, #tpu.memory_space<hbm>> -> memref<50x128xi32, #tpu.memory_space<hbm>>
        %dma_start3A_52 = arith.constant 0 : i32
        %dma_start3A_53 = tpu.memref_slice %arg2[%dma_start3A_52, %add3A_11] : memref<50x16384xi32, #tpu.memory_space<hbm>> -> memref<50x128xi32, #tpu.memory_space<hbm>>
        tpu.enqueue_dma source(%dma_start3A_53 : memref<50x128xi32, #tpu.memory_space<hbm>>) target(%arg5 : memref<50x128xi32, #tpu.memory_space<vmem>>) target_semaphore(%run_scoped3A : memref<!tpu.dma_semaphore, #tpu.memory_space<semaphore_mem>>)
        %dma_wait3A_54 = arith.constant 0 : i32
        %dma_wait3A_55 = tpu.memref_slice %arg2[%dma_wait3A_54, %add3A_11] : memref<50x16384xi32, #tpu.memory_space<hbm>> -> memref<50x128xi32, #tpu.memory_space<hbm>>
        %dma_wait3A_56 = arith.constant 0 : i32
        %dma_wait3A_57 = tpu.memref_slice %arg2[%dma_wait3A_56, %add3A_11] : memref<50x16384xi32, #tpu.memory_space<hbm>> -> memref<50x128xi32, #tpu.memory_space<hbm>>
        tpu.wait_dma2 semaphore(%run_scoped3A : memref<!tpu.dma_semaphore, #tpu.memory_space<semaphore_mem>>) src(%dma_wait3A_57 : memref<50x128xi32, #tpu.memory_space<hbm>>) dst(%arg5 : memref<50x128xi32, #tpu.memory_space<vmem>>)
        tpu.yield
      }) : () -> ()
      %scan3A_12 = arith.constant 0 : i32
      %scan3A_13 = arith.constant 0 : i32
      %scan3A_14 = arith.constant 50 : i32
      %scan3A_15 = arith.addi %scan3A_13, %scan3A_14 : i32
      %scan3A_16 = arith.constant 1 : i32
      scf.for %scan3A_50 = %scan3A_13 to %scan3A_15 step %scan3A_16  : i32 {
        %get3A = arith.index_cast %scan3A_50 : i32 to index
        %get3A_51 = arith.constant 0 : index
        %get3A_52 = tpu.vector_load %arg5[%get3A, %get3A_51] {strides = array<i32>} : memref<50x128xi32, #tpu.memory_space<vmem>>, vector<16xi32>,
        %shift_right_arithmetic3A = arith.constant 2 : i32
        %shift_right_arithmetic3A_53 = vector.broadcast %shift_right_arithmetic3A : i32 to vector<16xi32>
        %shift_right_arithmetic3A_54 = arith.shrsi %get3A_52, %shift_right_arithmetic3A_53 : vector<16xi32>
        %swap3A = arith.index_cast %scan3A_50 : i32 to index
        %swap3A_55 = arith.constant 0 : index
        %swap3A_56 = tpu.vector_load %arg6[%swap3A, %swap3A_55] {strides = array<i32>} : memref<50x128xi32, #tpu.memory_space<vmem>>, vector<16xi32>,
        tpu.vector_store %arg6[%swap3A, %swap3A_55], %shift_right_arithmetic3A_54 {strides = array<i32>} : memref<50x128xi32, #tpu.memory_space<vmem>>, vector<16xi32>,
        %and3A = arith.constant 3 : i32
        %and3A_57 = vector.broadcast %and3A : i32 to vector<16xi32>
        %and3A_58 = arith.andi %get3A_52, %and3A_57 : vector<16xi32>
        %shift_left3A = arith.constant 5 : i32
        %shift_left3A_59 = vector.broadcast %shift_left3A : i32 to vector<16xi32>
        %shift_left3A_60 = arith.shli %and3A_58, %shift_left3A_59 : vector<16xi32>
        %swap3A_61 = arith.index_cast %scan3A_50 : i32 to index
        %swap3A_62 = arith.constant 0 : index
        %swap3A_63 = tpu.vector_load %arg7[%swap3A_61, %swap3A_62] {strides = array<i32>} : memref<50x128xi32, #tpu.memory_space<vmem>>, vector<16xi32>,
        tpu.vector_store %arg7[%swap3A_61, %swap3A_62], %shift_left3A_60 {strides = array<i32>} : memref<50x128xi32, #tpu.memory_space<vmem>>, vector<16xi32>,
        %get3A_64 = arith.index_cast %scan3A_50 : i32 to index
        %get3A_65 = arith.constant 16 : index
        %get3A_66 = tpu.vector_load %arg5[%get3A_64, %get3A_65] {strides = array<i32>} : memref<50x128xi32, #tpu.memory_space<vmem>>, vector<16xi32>,
        %shift_right_arithmetic3A_67 = arith.constant 2 : i32
        %shift_right_arithmetic3A_68 = vector.broadcast %shift_right_arithmetic3A_67 : i32 to vector<16xi32>
        %shift_right_arithmetic3A_69 = arith.shrsi %get3A_66, %shift_right_arithmetic3A_68 : vector<16xi32>
        %swap3A_70 = arith.index_cast %scan3A_50 : i32 to index
        %swap3A_71 = arith.constant 16 : index
        %swap3A_72 = tpu.vector_load %arg6[%swap3A_70, %swap3A_71] {strides = array<i32>} : memref<50x128xi32, #tpu.memory_space<vmem>>, vector<16xi32>,
        tpu.vector_store %arg6[%swap3A_70, %swap3A_71], %shift_right_arithmetic3A_69 {strides = array<i32>} : memref<50x128xi32, #tpu.memory_space<vmem>>, vector<16xi32>,
        %and3A_73 = arith.constant 3 : i32
        %and3A_74 = vector.broadcast %and3A_73 : i32 to vector<16xi32>
        %and3A_75 = arith.andi %get3A_66, %and3A_74 : vector<16xi32>
        %shift_left3A_76 = arith.constant 5 : i32
        %shift_left3A_77 = vector.broadcast %shift_left3A_76 : i32 to vector<16xi32>
        %shift_left3A_78 = arith.shli %and3A_75, %shift_left3A_77 : vector<16xi32>
        %swap3A_79 = arith.index_cast %scan3A_50 : i32 to index
        %swap3A_80 = arith.constant 16 : index
        %swap3A_81 = tpu.vector_load %arg7[%swap3A_79, %swap3A_80] {strides = array<i32>} : memref<50x128xi32, #tpu.memory_space<vmem>>, vector<16xi32>,
        tpu.vector_store %arg7[%swap3A_79, %swap3A_80], %shift_left3A_78 {strides = array<i32>} : memref<50x128xi32, #tpu.memory_space<vmem>>, vector<16xi32>,
        %get3A_82 = arith.index_cast %scan3A_50 : i32 to index
        %get3A_83 = arith.constant 32 : index
        %get3A_84 = tpu.vector_load %arg5[%get3A_82, %get3A_83] {strides = array<i32>} : memref<50x128xi32, #tpu.memory_space<vmem>>, vector<16xi32>,
        %shift_right_arithmetic3A_85 = arith.constant 2 : i32
        %shift_right_arithmetic3A_86 = vector.broadcast %shift_right_arithmetic3A_85 : i32 to vector<16xi32>
        %shift_right_arithmetic3A_87 = arith.shrsi %get3A_84, %shift_right_arithmetic3A_86 : vector<16xi32>
        %swap3A_88 = arith.index_cast %scan3A_50 : i32 to index
        %swap3A_89 = arith.constant 32 : index
        %swap3A_90 = tpu.vector_load %arg6[%swap3A_88, %swap3A_89] {strides = array<i32>} : memref<50x128xi32, #tpu.memory_space<vmem>>, vector<16xi32>,
        tpu.vector_store %arg6[%swap3A_88, %swap3A_89], %shift_right_arithmetic3A_87 {strides = array<i32>} : memref<50x128xi32, #tpu.memory_space<vmem>>, vector<16xi32>,
        %and3A_91 = arith.constant 3 : i32
        %and3A_92 = vector.broadcast %and3A_91 : i32 to vector<16xi32>
        %and3A_93 = arith.andi %get3A_84, %and3A_92 : vector<16xi32>
        %shift_left3A_94 = arith.constant 5 : i32
        %shift_left3A_95 = vector.broadcast %shift_left3A_94 : i32 to vector<16xi32>
        %shift_left3A_96 = arith.shli %and3A_93, %shift_left3A_95 : vector<16xi32>
        %swap3A_97 = arith.index_cast %scan3A_50 : i32 to index
        %swap3A_98 = arith.constant 32 : index
        %swap3A_99 = tpu.vector_load %arg7[%swap3A_97, %swap3A_98] {strides = array<i32>} : memref<50x128xi32, #tpu.memory_space<vmem>>, vector<16xi32>,
        tpu.vector_store %arg7[%swap3A_97, %swap3A_98], %shift_left3A_96 {strides = array<i32>} : memref<50x128xi32, #tpu.memory_space<vmem>>, vector<16xi32>,
        %get3A_100 = arith.index_cast %scan3A_50 : i32 to index
        %get3A_101 = arith.constant 48 : index
        %get3A_102 = tpu.vector_load %arg5[%get3A_100, %get3A_101] {strides = array<i32>} : memref<50x128xi32, #tpu.memory_space<vmem>>, vector<16xi32>,
        %shift_right_arithmetic3A_103 = arith.constant 2 : i32
        %shift_right_arithmetic3A_104 = vector.broadcast %shift_right_arithmetic3A_103 : i32 to vector<16xi32>
        %shift_right_arithmetic3A_105 = arith.shrsi %get3A_102, %shift_right_arithmetic3A_104 : vector<16xi32>
        %swap3A_106 = arith.index_cast %scan3A_50 : i32 to index
        %swap3A_107 = arith.constant 48 : index
        %swap3A_108 = tpu.vector_load %arg6[%swap3A_106, %swap3A_107] {strides = array<i32>} : memref<50x128xi32, #tpu.memory_space<vmem>>, vector<16xi32>,
        tpu.vector_store %arg6[%swap3A_106, %swap3A_107], %shift_right_arithmetic3A_105 {strides = array<i32>} : memref<50x128xi32, #tpu.memory_space<vmem>>, vector<16xi32>,
        %and3A_109 = arith.constant 3 : i32
        %and3A_110 = vector.broadcast %and3A_109 : i32 to vector<16xi32>
        %and3A_111 = arith.andi %get3A_102, %and3A_110 : vector<16xi32>
        %shift_left3A_112 = arith.constant 5 : i32
        %shift_left3A_113 = vector.broadcast %shift_left3A_112 : i32 to vector<16xi32>
        %shift_left3A_114 = arith.shli %and3A_111, %shift_left3A_113 : vector<16xi32>
        %swap3A_115 = arith.index_cast %scan3A_50 : i32 to index
        %swap3A_116 = arith.constant 48 : index
        %swap3A_117 = tpu.vector_load %arg7[%swap3A_115, %swap3A_116] {strides = array<i32>} : memref<50x128xi32, #tpu.memory_space<vmem>>, vector<16xi32>,
        tpu.vector_store %arg7[%swap3A_115, %swap3A_116], %shift_left3A_114 {strides = array<i32>} : memref<50x128xi32, #tpu.memory_space<vmem>>, vector<16xi32>,
        %get3A_118 = arith.index_cast %scan3A_50 : i32 to index
        %get3A_119 = arith.constant 64 : index
        %get3A_120 = tpu.vector_load %arg5[%get3A_118, %get3A_119] {strides = array<i32>} : memref<50x128xi32, #tpu.memory_space<vmem>>, vector<16xi32>,
        %shift_right_arithmetic3A_121 = arith.constant 2 : i32
        %shift_right_arithmetic3A_122 = vector.broadcast %shift_right_arithmetic3A_121 : i32 to vector<16xi32>
        %shift_right_arithmetic3A_123 = arith.shrsi %get3A_120, %shift_right_arithmetic3A_122 : vector<16xi32>
        %swap3A_124 = arith.index_cast %scan3A_50 : i32 to index
        %swap3A_125 = arith.constant 64 : index
        %swap3A_126 = tpu.vector_load %arg6[%swap3A_124, %swap3A_125] {strides = array<i32>} : memref<50x128xi32, #tpu.memory_space<vmem>>, vector<16xi32>,
        tpu.vector_store %arg6[%swap3A_124, %swap3A_125], %shift_right_arithmetic3A_123 {strides = array<i32>} : memref<50x128xi32, #tpu.memory_space<vmem>>, vector<16xi32>,
        %and3A_127 = arith.constant 3 : i32
        %and3A_128 = vector.broadcast %and3A_127 : i32 to vector<16xi32>
        %and3A_129 = arith.andi %get3A_120, %and3A_128 : vector<16xi32>
        %shift_left3A_130 = arith.constant 5 : i32
        %shift_left3A_131 = vector.broadcast %shift_left3A_130 : i32 to vector<16xi32>
        %shift_left3A_132 = arith.shli %and3A_129, %shift_left3A_131 : vector<16xi32>
        %swap3A_133 = arith.index_cast %scan3A_50 : i32 to index
        %swap3A_134 = arith.constant 64 : index
        %swap3A_135 = tpu.vector_load %arg7[%swap3A_133, %swap3A_134] {strides = array<i32>} : memref<50x128xi32, #tpu.memory_space<vmem>>, vector<16xi32>,
        tpu.vector_store %arg7[%swap3A_133, %swap3A_134], %shift_left3A_132 {strides = array<i32>} : memref<50x128xi32, #tpu.memory_space<vmem>>, vector<16xi32>,
        %get3A_136 = arith.index_cast %scan3A_50 : i32 to index
        %get3A_137 = arith.constant 80 : index
        %get3A_138 = tpu.vector_load %arg5[%get3A_136, %get3A_137] {strides = array<i32>} : memref<50x128xi32, #tpu.memory_space<vmem>>, vector<16xi32>,
        %shift_right_arithmetic3A_139 = arith.constant 2 : i32
        %shift_right_arithmetic3A_140 = vector.broadcast %shift_right_arithmetic3A_139 : i32 to vector<16xi32>
        %shift_right_arithmetic3A_141 = arith.shrsi %get3A_138, %shift_right_arithmetic3A_140 : vector<16xi32>
        %swap3A_142 = arith.index_cast %scan3A_50 : i32 to index
        %swap3A_143 = arith.constant 80 : index
        %swap3A_144 = tpu.vector_load %arg6[%swap3A_142, %swap3A_143] {strides = array<i32>} : memref<50x128xi32, #tpu.memory_space<vmem>>, vector<16xi32>,
        tpu.vector_store %arg6[%swap3A_142, %swap3A_143], %shift_right_arithmetic3A_141 {strides = array<i32>} : memref<50x128xi32, #tpu.memory_space<vmem>>, vector<16xi32>,
        %and3A_145 = arith.constant 3 : i32
        %and3A_146 = vector.broadcast %and3A_145 : i32 to vector<16xi32>
        %and3A_147 = arith.andi %get3A_138, %and3A_146 : vector<16xi32>
        %shift_left3A_148 = arith.constant 5 : i32
        %shift_left3A_149 = vector.broadcast %shift_left3A_148 : i32 to vector<16xi32>
        %shift_left3A_150 = arith.shli %and3A_147, %shift_left3A_149 : vector<16xi32>
        %swap3A_151 = arith.index_cast %scan3A_50 : i32 to index
        %swap3A_152 = arith.constant 80 : index
        %swap3A_153 = tpu.vector_load %arg7[%swap3A_151, %swap3A_152] {strides = array<i32>} : memref<50x128xi32, #tpu.memory_space<vmem>>, vector<16xi32>,
        tpu.vector_store %arg7[%swap3A_151, %swap3A_152], %shift_left3A_150 {strides = array<i32>} : memref<50x128xi32, #tpu.memory_space<vmem>>, vector<16xi32>,
        %get3A_154 = arith.index_cast %scan3A_50 : i32 to index
        %get3A_155 = arith.constant 96 : index
        %get3A_156 = tpu.vector_load %arg5[%get3A_154, %get3A_155] {strides = array<i32>} : memref<50x128xi32, #tpu.memory_space<vmem>>, vector<16xi32>,
        %shift_right_arithmetic3A_157 = arith.constant 2 : i32
        %shift_right_arithmetic3A_158 = vector.broadcast %shift_right_arithmetic3A_157 : i32 to vector<16xi32>
        %shift_right_arithmetic3A_159 = arith.shrsi %get3A_156, %shift_right_arithmetic3A_158 : vector<16xi32>
        %swap3A_160 = arith.index_cast %scan3A_50 : i32 to index
        %swap3A_161 = arith.constant 96 : index
        %swap3A_162 = tpu.vector_load %arg6[%swap3A_160, %swap3A_161] {strides = array<i32>} : memref<50x128xi32, #tpu.memory_space<vmem>>, vector<16xi32>,
        tpu.vector_store %arg6[%swap3A_160, %swap3A_161], %shift_right_arithmetic3A_159 {strides = array<i32>} : memref<50x128xi32, #tpu.memory_space<vmem>>, vector<16xi32>,
        %and3A_163 = arith.constant 3 : i32
        %and3A_164 = vector.broadcast %and3A_163 : i32 to vector<16xi32>
        %and3A_165 = arith.andi %get3A_156, %and3A_164 : vector<16xi32>
        %shift_left3A_166 = arith.constant 5 : i32
        %shift_left3A_167 = vector.broadcast %shift_left3A_166 : i32 to vector<16xi32>
        %shift_left3A_168 = arith.shli %and3A_165, %shift_left3A_167 : vector<16xi32>
        %swap3A_169 = arith.index_cast %scan3A_50 : i32 to index
        %swap3A_170 = arith.constant 96 : index
        %swap3A_171 = tpu.vector_load %arg7[%swap3A_169, %swap3A_170] {strides = array<i32>} : memref<50x128xi32, #tpu.memory_space<vmem>>, vector<16xi32>,
        tpu.vector_store %arg7[%swap3A_169, %swap3A_170], %shift_left3A_168 {strides = array<i32>} : memref<50x128xi32, #tpu.memory_space<vmem>>, vector<16xi32>,
        %get3A_172 = arith.index_cast %scan3A_50 : i32 to index
        %get3A_173 = arith.constant 112 : index
        %get3A_174 = tpu.vector_load %arg5[%get3A_172, %get3A_173] {strides = array<i32>} : memref<50x128xi32, #tpu.memory_space<vmem>>, vector<16xi32>,
        %shift_right_arithmetic3A_175 = arith.constant 2 : i32
        %shift_right_arithmetic3A_176 = vector.broadcast %shift_right_arithmetic3A_175 : i32 to vector<16xi32>
        %shift_right_arithmetic3A_177 = arith.shrsi %get3A_174, %shift_right_arithmetic3A_176 : vector<16xi32>
        %swap3A_178 = arith.index_cast %scan3A_50 : i32 to index
        %swap3A_179 = arith.constant 112 : index
        %swap3A_180 = tpu.vector_load %arg6[%swap3A_178, %swap3A_179] {strides = array<i32>} : memref<50x128xi32, #tpu.memory_space<vmem>>, vector<16xi32>,
        tpu.vector_store %arg6[%swap3A_178, %swap3A_179], %shift_right_arithmetic3A_177 {strides = array<i32>} : memref<50x128xi32, #tpu.memory_space<vmem>>, vector<16xi32>,
        %and3A_181 = arith.constant 3 : i32
        %and3A_182 = vector.broadcast %and3A_181 : i32 to vector<16xi32>
        %and3A_183 = arith.andi %get3A_174, %and3A_182 : vector<16xi32>
        %shift_left3A_184 = arith.constant 5 : i32
        %shift_left3A_185 = vector.broadcast %shift_left3A_184 : i32 to vector<16xi32>
        %shift_left3A_186 = arith.shli %and3A_183, %shift_left3A_185 : vector<16xi32>
        %swap3A_187 = arith.index_cast %scan3A_50 : i32 to index
        %swap3A_188 = arith.constant 112 : index
        %swap3A_189 = tpu.vector_load %arg7[%swap3A_187, %swap3A_188] {strides = array<i32>} : memref<50x128xi32, #tpu.memory_space<vmem>>, vector<16xi32>,
        tpu.vector_store %arg7[%swap3A_187, %swap3A_188], %shift_left3A_186 {strides = array<i32>} : memref<50x128xi32, #tpu.memory_space<vmem>>, vector<16xi32>,
      }
      %scan3A_17 = arith.constant 50 : i32
      %dma_start3A = arith.constant 0 : i32
      %dma_start3A_18 = arith.constant 0 : i32
      %dma_start3A_19 = tpu.memref_slice %arg6[%dma_start3A, %dma_start3A_18] : memref<50x128xi32, #tpu.memory_space<vmem>> -> memref<1x128xi32, #tpu.memory_space<vmem>>
      %dma_start3A_20 = tpu.memref_squeeze %dma_start3A_19 : memref<1x128xi32, #tpu.memory_space<vmem>> -> memref<128xi32, #tpu.memory_space<vmem>>
      %dma_start3A_21 = arith.constant 0 : i32
      %dma_start3A_22 = arith.constant 0 : i32
      %dma_start3A_23 = tpu.memref_slice %arg3[%dma_start3A_21, %dma_start3A_22] : memref<250000x128xf32, #tpu.memory_space<hbm>> -> memref<250000x128xf32, #tpu.memory_space<hbm>>
      tpu.enqueue_indirect_dma source(%dma_start3A_23 : memref<250000x128xf32, #tpu.memory_space<hbm>>) target(%arg8 : memref<128x128xf32, #tpu.memory_space<vmem>>) offsets(%dma_start3A_20 : memref<128xi32, #tpu.memory_space<vmem>>) semaphore(%arg12 : memref<!tpu.dma_semaphore, #tpu.memory_space<semaphore_mem>>)
      %dma_start3A_24 = arith.constant 1 : i32
      %dma_start3A_25 = arith.constant 0 : i32
      %dma_start3A_26 = tpu.memref_slice %arg6[%dma_start3A_24, %dma_start3A_25] : memref<50x128xi32, #tpu.memory_space<vmem>> -> memref<1x128xi32, #tpu.memory_space<vmem>>
      %dma_start3A_27 = tpu.memref_squeeze %dma_start3A_26 : memref<1x128xi32, #tpu.memory_space<vmem>> -> memref<128xi32, #tpu.memory_space<vmem>>
      %dma_start3A_28 = arith.constant 0 : i32
      %dma_start3A_29 = arith.constant 0 : i32
      %dma_start3A_30 = tpu.memref_slice %arg3[%dma_start3A_28, %dma_start3A_29] : memref<250000x128xf32, #tpu.memory_space<hbm>> -> memref<250000x128xf32, #tpu.memory_space<hbm>>
      tpu.enqueue_indirect_dma source(%dma_start3A_30 : memref<250000x128xf32, #tpu.memory_space<hbm>>) target(%arg9 : memref<128x128xf32, #tpu.memory_space<vmem>>) offsets(%dma_start3A_27 : memref<128xi32, #tpu.memory_space<vmem>>) semaphore(%arg13 : memref<!tpu.dma_semaphore, #tpu.memory_space<semaphore_mem>>)
      %scan3A_31 = arith.constant 0 : i32
      %scan3A_32 = arith.constant 0 : i32
      %scan3A_33 = arith.constant 25 : i32
      %scan3A_34 = arith.addi %scan3A_32, %scan3A_33 : i32
      %scan3A_35 = arith.constant 1 : i32
      scf.for %scan3A_50 = %scan3A_32 to %scan3A_34 step %scan3A_35  : i32 {
        %mul3A_51 = arith.constant 2 : i32
        %mul3A_52 = arith.muli %mul3A_51, %scan3A_50 : i32
        %add3A_53 = arith.constant 0 : i32
        %add3A_54 = arith.addi %mul3A_52, %add3A_53 : i32
        %ge3A = arith.constant 1 : i32
        %ge3A_55 = arith.cmpi sge, %scan3A_50, %ge3A : i32
        %convert_element_type3A = arith.extui %ge3A_55 : i1 to i32
        %cond3A = arith.constant 0 : i32
        %cond3A_56 = arith.cmpi ne, %convert_element_type3A, %cond3A : i32
        scf.if %cond3A_56 {
          %dma_wait3A_294 = arith.constant 0 : i32
          %dma_wait3A_295 = arith.constant 0 : i32
          %dma_wait3A_296 = tpu.memref_slice %arg4[%dma_wait3A_294, %dma_wait3A_295, %add3A_11] : memref<50x32x16384xf32, #tpu.memory_space<hbm>> -> memref<1x32x128xf32, #tpu.memory_space<hbm>>
          %dma_wait3A_297 = tpu.memref_squeeze %dma_wait3A_296 : memref<1x32x128xf32, #tpu.memory_space<hbm>> -> memref<32x128xf32, #tpu.memory_space<hbm>>
          %dma_wait3A_298 = arith.constant 0 : i32
          %dma_wait3A_299 = tpu.memref_slice %arg4[%dma_wait3A_294, %dma_wait3A_298, %add3A_11] : memref<50x32x16384xf32, #tpu.memory_space<hbm>> -> memref<1x32x128xf32, #tpu.memory_space<hbm>>
          %dma_wait3A_300 = tpu.memref_squeeze %dma_wait3A_299 : memref<1x32x128xf32, #tpu.memory_space<hbm>> -> memref<32x128xf32, #tpu.memory_space<hbm>>
          tpu.wait_dma2 semaphore(%arg14 : memref<!tpu.dma_semaphore, #tpu.memory_space<semaphore_mem>>) src(%arg10 : memref<32x128xf32, #tpu.memory_space<vmem>>) dst(%dma_wait3A_300 : memref<32x128xf32, #tpu.memory_space<hbm>>)
        } else {
        }
        %dma_wait3A_57 = arith.constant 0 : i32
        %dma_wait3A_58 = tpu.memref_slice %arg6[%add3A_54, %dma_wait3A_57] : memref<50x128xi32, #tpu.memory_space<vmem>> -> memref<1x128xi32, #tpu.memory_space<vmem>>
        %dma_wait3A_59 = tpu.memref_squeeze %dma_wait3A_58 : memref<1x128xi32, #tpu.memory_space<vmem>> -> memref<128xi32, #tpu.memory_space<vmem>>
        %dma_wait3A_60 = arith.constant 0 : i32
        %dma_wait3A_61 = arith.constant 0 : i32
        %dma_wait3A_62 = tpu.memref_slice %arg3[%dma_wait3A_60, %dma_wait3A_61] : memref<250000x128xf32, #tpu.memory_space<hbm>> -> memref<250000x128xf32, #tpu.memory_space<hbm>>
        tpu.wait_indirect_dma semaphore(%arg12 : memref<!tpu.dma_semaphore, #tpu.memory_space<semaphore_mem>>) src(%dma_wait3A_62 : memref<250000x128xf32, #tpu.memory_space<hbm>>) dst(%arg8 : memref<128x128xf32, #tpu.memory_space<vmem>>)
        %add3A_63 = arith.constant 0 : i32
        %add3A_64 = vector.broadcast %add3A_63 : i32 to vector<16xi32>
        %add3A_65 = arith.addi %iota3A, %add3A_64 : vector<16xi32>
        %get3A = arith.index_cast %add3A_54 : i32 to index
        %get3A_66 = arith.constant 0 : index
        %get3A_67 = tpu.vector_load %arg7[%get3A, %get3A_66] {strides = array<i32>} : memref<50x128xi32, #tpu.memory_space<vmem>>, vector<16xi32>,
        %scan3A_68 = arith.constant 0 : i32
        %scan3A_69 = arith.constant 0 : i32
        %scan3A_70 = arith.constant 32 : i32
        %scan3A_71 = arith.addi %scan3A_69, %scan3A_70 : i32
        %scan3A_72 = arith.constant 1 : i32
        scf.for %scan3A_294 = %scan3A_69 to %scan3A_71 step %scan3A_72  : i32 {
          %add3A_295 = vector.broadcast %scan3A_294 : i32 to vector<16xi32>
          %add3A_296 = arith.addi %get3A_67, %add3A_295 : vector<16xi32>
          %gather3A = tpu.vector_load_idx %arg8[%add3A_65, %add3A_296] : memref<128x128xf32, #tpu.memory_space<vmem>>[vector<16xi32>, vector<16xi32>], vector<16xf32>,
          %swap3A = arith.index_cast %scan3A_294 : i32 to index
          %swap3A_297 = arith.constant 0 : index
          %swap3A_298 = tpu.vector_load %arg10[%swap3A, %swap3A_297] {strides = array<i32>} : memref<32x128xf32, #tpu.memory_space<vmem>>, vector<16xf32>,
          tpu.vector_store %arg10[%swap3A, %swap3A_297], %gather3A {strides = array<i32>} : memref<32x128xf32, #tpu.memory_space<vmem>>, vector<16xf32>,
        }
        %scan3A_73 = arith.constant 32 : i32
        %add3A_74 = arith.constant 16 : i32
        %add3A_75 = vector.broadcast %add3A_74 : i32 to vector<16xi32>
        %add3A_76 = arith.addi %iota3A, %add3A_75 : vector<16xi32>
        %get3A_77 = arith.index_cast %add3A_54 : i32 to index
        %get3A_78 = arith.constant 16 : index
        %get3A_79 = tpu.vector_load %arg7[%get3A_77, %get3A_78] {strides = array<i32>} : memref<50x128xi32, #tpu.memory_space<vmem>>, vector<16xi32>,
        %scan3A_80 = arith.constant 0 : i32
        %scan3A_81 = arith.constant 0 : i32
        %scan3A_82 = arith.constant 32 : i32
        %scan3A_83 = arith.addi %scan3A_81, %scan3A_82 : i32
        %scan3A_84 = arith.constant 1 : i32
        scf.for %scan3A_294 = %scan3A_81 to %scan3A_83 step %scan3A_84  : i32 {
          %add3A_295 = vector.broadcast %scan3A_294 : i32 to vector<16xi32>
          %add3A_296 = arith.addi %get3A_79, %add3A_295 : vector<16xi32>
          %gather3A = tpu.vector_load_idx %arg8[%add3A_76, %add3A_296] : memref<128x128xf32, #tpu.memory_space<vmem>>[vector<16xi32>, vector<16xi32>], vector<16xf32>,
          %swap3A = arith.index_cast %scan3A_294 : i32 to index
          %swap3A_297 = arith.constant 16 : index
          %swap3A_298 = tpu.vector_load %arg10[%swap3A, %swap3A_297] {strides = array<i32>} : memref<32x128xf32, #tpu.memory_space<vmem>>, vector<16xf32>,
          tpu.vector_store %arg10[%swap3A, %swap3A_297], %gather3A {strides = array<i32>} : memref<32x128xf32, #tpu.memory_space<vmem>>, vector<16xf32>,
        }
        %scan3A_85 = arith.constant 32 : i32
        %add3A_86 = arith.constant 32 : i32
        %add3A_87 = vector.broadcast %add3A_86 : i32 to vector<16xi32>
        %add3A_88 = arith.addi %iota3A, %add3A_87 : vector<16xi32>
        %get3A_89 = arith.index_cast %add3A_54 : i32 to index
        %get3A_90 = arith.constant 32 : index
        %get3A_91 = tpu.vector_load %arg7[%get3A_89, %get3A_90] {strides = array<i32>} : memref<50x128xi32, #tpu.memory_space<vmem>>, vector<16xi32>,
        %scan3A_92 = arith.constant 0 : i32
        %scan3A_93 = arith.constant 0 : i32
        %scan3A_94 = arith.constant 32 : i32
        %scan3A_95 = arith.addi %scan3A_93, %scan3A_94 : i32
        %scan3A_96 = arith.constant 1 : i32
        scf.for %scan3A_294 = %scan3A_93 to %scan3A_95 step %scan3A_96  : i32 {
          %add3A_295 = vector.broadcast %scan3A_294 : i32 to vector<16xi32>
          %add3A_296 = arith.addi %get3A_91, %add3A_295 : vector<16xi32>
          %gather3A = tpu.vector_load_idx %arg8[%add3A_88, %add3A_296] : memref<128x128xf32, #tpu.memory_space<vmem>>[vector<16xi32>, vector<16xi32>], vector<16xf32>,
          %swap3A = arith.index_cast %scan3A_294 : i32 to index
          %swap3A_297 = arith.constant 32 : index
          %swap3A_298 = tpu.vector_load %arg10[%swap3A, %swap3A_297] {strides = array<i32>} : memref<32x128xf32, #tpu.memory_space<vmem>>, vector<16xf32>,
          tpu.vector_store %arg10[%swap3A, %swap3A_297], %gather3A {strides = array<i32>} : memref<32x128xf32, #tpu.memory_space<vmem>>, vector<16xf32>,
        }
        %scan3A_97 = arith.constant 32 : i32
        %add3A_98 = arith.constant 48 : i32
        %add3A_99 = vector.broadcast %add3A_98 : i32 to vector<16xi32>
        %add3A_100 = arith.addi %iota3A, %add3A_99 : vector<16xi32>
        %get3A_101 = arith.index_cast %add3A_54 : i32 to index
        %get3A_102 = arith.constant 48 : index
        %get3A_103 = tpu.vector_load %arg7[%get3A_101, %get3A_102] {strides = array<i32>} : memref<50x128xi32, #tpu.memory_space<vmem>>, vector<16xi32>,
        %scan3A_104 = arith.constant 0 : i32
        %scan3A_105 = arith.constant 0 : i32
        %scan3A_106 = arith.constant 32 : i32
        %scan3A_107 = arith.addi %scan3A_105, %scan3A_106 : i32
        %scan3A_108 = arith.constant 1 : i32
        scf.for %scan3A_294 = %scan3A_105 to %scan3A_107 step %scan3A_108  : i32 {
          %add3A_295 = vector.broadcast %scan3A_294 : i32 to vector<16xi32>
          %add3A_296 = arith.addi %get3A_103, %add3A_295 : vector<16xi32>
          %gather3A = tpu.vector_load_idx %arg8[%add3A_100, %add3A_296] : memref<128x128xf32, #tpu.memory_space<vmem>>[vector<16xi32>, vector<16xi32>], vector<16xf32>,
          %swap3A = arith.index_cast %scan3A_294 : i32 to index
          %swap3A_297 = arith.constant 48 : index
          %swap3A_298 = tpu.vector_load %arg10[%swap3A, %swap3A_297] {strides = array<i32>} : memref<32x128xf32, #tpu.memory_space<vmem>>, vector<16xf32>,
          tpu.vector_store %arg10[%swap3A, %swap3A_297], %gather3A {strides = array<i32>} : memref<32x128xf32, #tpu.memory_space<vmem>>, vector<16xf32>,
        }
        %scan3A_109 = arith.constant 32 : i32
        %add3A_110 = arith.constant 64 : i32
        %add3A_111 = vector.broadcast %add3A_110 : i32 to vector<16xi32>
        %add3A_112 = arith.addi %iota3A, %add3A_111 : vector<16xi32>
        %get3A_113 = arith.index_cast %add3A_54 : i32 to index
        %get3A_114 = arith.constant 64 : index
        %get3A_115 = tpu.vector_load %arg7[%get3A_113, %get3A_114] {strides = array<i32>} : memref<50x128xi32, #tpu.memory_space<vmem>>, vector<16xi32>,
        %scan3A_116 = arith.constant 0 : i32
        %scan3A_117 = arith.constant 0 : i32
        %scan3A_118 = arith.constant 32 : i32
        %scan3A_119 = arith.addi %scan3A_117, %scan3A_118 : i32
        %scan3A_120 = arith.constant 1 : i32
        scf.for %scan3A_294 = %scan3A_117 to %scan3A_119 step %scan3A_120  : i32 {
          %add3A_295 = vector.broadcast %scan3A_294 : i32 to vector<16xi32>
          %add3A_296 = arith.addi %get3A_115, %add3A_295 : vector<16xi32>
          %gather3A = tpu.vector_load_idx %arg8[%add3A_112, %add3A_296] : memref<128x128xf32, #tpu.memory_space<vmem>>[vector<16xi32>, vector<16xi32>], vector<16xf32>,
          %swap3A = arith.index_cast %scan3A_294 : i32 to index
          %swap3A_297 = arith.constant 64 : index
          %swap3A_298 = tpu.vector_load %arg10[%swap3A, %swap3A_297] {strides = array<i32>} : memref<32x128xf32, #tpu.memory_space<vmem>>, vector<16xf32>,
          tpu.vector_store %arg10[%swap3A, %swap3A_297], %gather3A {strides = array<i32>} : memref<32x128xf32, #tpu.memory_space<vmem>>, vector<16xf32>,
        }
        %scan3A_121 = arith.constant 32 : i32
        %add3A_122 = arith.constant 80 : i32
        %add3A_123 = vector.broadcast %add3A_122 : i32 to vector<16xi32>
        %add3A_124 = arith.addi %iota3A, %add3A_123 : vector<16xi32>
        %get3A_125 = arith.index_cast %add3A_54 : i32 to index
        %get3A_126 = arith.constant 80 : index
        %get3A_127 = tpu.vector_load %arg7[%get3A_125, %get3A_126] {strides = array<i32>} : memref<50x128xi32, #tpu.memory_space<vmem>>, vector<16xi32>,
        %scan3A_128 = arith.constant 0 : i32
        %scan3A_129 = arith.constant 0 : i32
        %scan3A_130 = arith.constant 32 : i32
        %scan3A_131 = arith.addi %scan3A_129, %scan3A_130 : i32
        %scan3A_132 = arith.constant 1 : i32
        scf.for %scan3A_294 = %scan3A_129 to %scan3A_131 step %scan3A_132  : i32 {
          %add3A_295 = vector.broadcast %scan3A_294 : i32 to vector<16xi32>
          %add3A_296 = arith.addi %get3A_127, %add3A_295 : vector<16xi32>
          %gather3A = tpu.vector_load_idx %arg8[%add3A_124, %add3A_296] : memref<128x128xf32, #tpu.memory_space<vmem>>[vector<16xi32>, vector<16xi32>], vector<16xf32>,
          %swap3A = arith.index_cast %scan3A_294 : i32 to index
          %swap3A_297 = arith.constant 80 : index
          %swap3A_298 = tpu.vector_load %arg10[%swap3A, %swap3A_297] {strides = array<i32>} : memref<32x128xf32, #tpu.memory_space<vmem>>, vector<16xf32>,
          tpu.vector_store %arg10[%swap3A, %swap3A_297], %gather3A {strides = array<i32>} : memref<32x128xf32, #tpu.memory_space<vmem>>, vector<16xf32>,
        }
        %scan3A_133 = arith.constant 32 : i32
        %add3A_134 = arith.constant 96 : i32
        %add3A_135 = vector.broadcast %add3A_134 : i32 to vector<16xi32>
        %add3A_136 = arith.addi %iota3A, %add3A_135 : vector<16xi32>
        %get3A_137 = arith.index_cast %add3A_54 : i32 to index
        %get3A_138 = arith.constant 96 : index
        %get3A_139 = tpu.vector_load %arg7[%get3A_137, %get3A_138] {strides = array<i32>} : memref<50x128xi32, #tpu.memory_space<vmem>>, vector<16xi32>,
        %scan3A_140 = arith.constant 0 : i32
        %scan3A_141 = arith.constant 0 : i32
        %scan3A_142 = arith.constant 32 : i32
        %scan3A_143 = arith.addi %scan3A_141, %scan3A_142 : i32
        %scan3A_144 = arith.constant 1 : i32
        scf.for %scan3A_294 = %scan3A_141 to %scan3A_143 step %scan3A_144  : i32 {
          %add3A_295 = vector.broadcast %scan3A_294 : i32 to vector<16xi32>
          %add3A_296 = arith.addi %get3A_139, %add3A_295 : vector<16xi32>
          %gather3A = tpu.vector_load_idx %arg8[%add3A_136, %add3A_296] : memref<128x128xf32, #tpu.memory_space<vmem>>[vector<16xi32>, vector<16xi32>], vector<16xf32>,
          %swap3A = arith.index_cast %scan3A_294 : i32 to index
          %swap3A_297 = arith.constant 96 : index
          %swap3A_298 = tpu.vector_load %arg10[%swap3A, %swap3A_297] {strides = array<i32>} : memref<32x128xf32, #tpu.memory_space<vmem>>, vector<16xf32>,
          tpu.vector_store %arg10[%swap3A, %swap3A_297], %gather3A {strides = array<i32>} : memref<32x128xf32, #tpu.memory_space<vmem>>, vector<16xf32>,
        }
        %scan3A_145 = arith.constant 32 : i32
        %add3A_146 = arith.constant 112 : i32
        %add3A_147 = vector.broadcast %add3A_146 : i32 to vector<16xi32>
        %add3A_148 = arith.addi %iota3A, %add3A_147 : vector<16xi32>
        %get3A_149 = arith.index_cast %add3A_54 : i32 to index
        %get3A_150 = arith.constant 112 : index
        %get3A_151 = tpu.vector_load %arg7[%get3A_149, %get3A_150] {strides = array<i32>} : memref<50x128xi32, #tpu.memory_space<vmem>>, vector<16xi32>,
        %scan3A_152 = arith.constant 0 : i32
        %scan3A_153 = arith.constant 0 : i32
        %scan3A_154 = arith.constant 32 : i32
        %scan3A_155 = arith.addi %scan3A_153, %scan3A_154 : i32
        %scan3A_156 = arith.constant 1 : i32
        scf.for %scan3A_294 = %scan3A_153 to %scan3A_155 step %scan3A_156  : i32 {
          %add3A_295 = vector.broadcast %scan3A_294 : i32 to vector<16xi32>
          %add3A_296 = arith.addi %get3A_151, %add3A_295 : vector<16xi32>
          %gather3A = tpu.vector_load_idx %arg8[%add3A_148, %add3A_296] : memref<128x128xf32, #tpu.memory_space<vmem>>[vector<16xi32>, vector<16xi32>], vector<16xf32>,
          %swap3A = arith.index_cast %scan3A_294 : i32 to index
          %swap3A_297 = arith.constant 112 : index
          %swap3A_298 = tpu.vector_load %arg10[%swap3A, %swap3A_297] {strides = array<i32>} : memref<32x128xf32, #tpu.memory_space<vmem>>, vector<16xf32>,
          tpu.vector_store %arg10[%swap3A, %swap3A_297], %gather3A {strides = array<i32>} : memref<32x128xf32, #tpu.memory_space<vmem>>, vector<16xf32>,
        }
        %scan3A_157 = arith.constant 32 : i32
        %dma_start3A_158 = arith.constant 0 : i32
        %dma_start3A_159 = tpu.memref_slice %arg4[%add3A_54, %dma_start3A_158, %add3A_11] : memref<50x32x16384xf32, #tpu.memory_space<hbm>> -> memref<1x32x128xf32, #tpu.memory_space<hbm>>
        %dma_start3A_160 = tpu.memref_squeeze %dma_start3A_159 : memref<1x32x128xf32, #tpu.memory_space<hbm>> -> memref<32x128xf32, #tpu.memory_space<hbm>>
        %dma_start3A_161 = arith.constant 0 : i32
        %dma_start3A_162 = tpu.memref_slice %arg4[%add3A_54, %dma_start3A_161, %add3A_11] : memref<50x32x16384xf32, #tpu.memory_space<hbm>> -> memref<1x32x128xf32, #tpu.memory_space<hbm>>
        %dma_start3A_163 = tpu.memref_squeeze %dma_start3A_162 : memref<1x32x128xf32, #tpu.memory_space<hbm>> -> memref<32x128xf32, #tpu.memory_space<hbm>>
        tpu.enqueue_dma source(%arg10 : memref<32x128xf32, #tpu.memory_space<vmem>>) target(%dma_start3A_163 : memref<32x128xf32, #tpu.memory_space<hbm>>) target_semaphore(%arg14 : memref<!tpu.dma_semaphore, #tpu.memory_space<semaphore_mem>>)
        %add3A_164 = arith.constant 2 : i32
        %add3A_165 = arith.addi %add3A_54, %add3A_164 : i32
        %lt3A = arith.constant 50 : i32
        %lt3A_166 = arith.cmpi slt, %add3A_165, %lt3A : i32
        %convert_element_type3A_167 = arith.extui %lt3A_166 : i1 to i32
        %cond3A_168 = arith.constant 0 : i32
        %cond3A_169 = arith.cmpi ne, %convert_element_type3A_167, %cond3A_168 : i32
        scf.if %cond3A_169 {
          %add3A_294 = arith.constant 2 : i32
          %add3A_295 = arith.addi %add3A_54, %add3A_294 : i32
          %dma_start3A_296 = arith.constant 0 : i32
          %dma_start3A_297 = tpu.memref_slice %arg6[%add3A_295, %dma_start3A_296] : memref<50x128xi32, #tpu.memory_space<vmem>> -> memref<1x128xi32, #tpu.memory_space<vmem>>
          %dma_start3A_298 = tpu.memref_squeeze %dma_start3A_297 : memref<1x128xi32, #tpu.memory_space<vmem>> -> memref<128xi32, #tpu.memory_space<vmem>>
          %dma_start3A_299 = arith.constant 0 : i32
          %dma_start3A_300 = arith.constant 0 : i32
          %dma_start3A_301 = tpu.memref_slice %arg3[%dma_start3A_299, %dma_start3A_300] : memref<250000x128xf32, #tpu.memory_space<hbm>> -> memref<250000x128xf32, #tpu.memory_space<hbm>>
          tpu.enqueue_indirect_dma source(%dma_start3A_301 : memref<250000x128xf32, #tpu.memory_space<hbm>>) target(%arg8 : memref<128x128xf32, #tpu.memory_space<vmem>>) offsets(%dma_start3A_298 : memref<128xi32, #tpu.memory_space<vmem>>) semaphore(%arg12 : memref<!tpu.dma_semaphore, #tpu.memory_space<semaphore_mem>>)
        } else {
        }
        %mul3A_170 = arith.constant 2 : i32
        %mul3A_171 = arith.muli %mul3A_170, %scan3A_50 : i32
        %add3A_172 = arith.constant 1 : i32
        %add3A_173 = arith.addi %mul3A_171, %add3A_172 : i32
        %ge3A_174 = arith.constant 1 : i32
        %ge3A_175 = arith.cmpi sge, %scan3A_50, %ge3A_174 : i32
        %convert_element_type3A_176 = arith.extui %ge3A_175 : i1 to i32
        %cond3A_177 = arith.constant 0 : i32
        %cond3A_178 = arith.cmpi ne, %convert_element_type3A_176, %cond3A_177 : i32
        scf.if %cond3A_178 {
          %dma_wait3A_294 = arith.constant 0 : i32
          %dma_wait3A_295 = arith.constant 0 : i32
          %dma_wait3A_296 = tpu.memref_slice %arg4[%dma_wait3A_294, %dma_wait3A_295, %add3A_11] : memref<50x32x16384xf32, #tpu.memory_space<hbm>> -> memref<1x32x128xf32, #tpu.memory_space<hbm>>
          %dma_wait3A_297 = tpu.memref_squeeze %dma_wait3A_296 : memref<1x32x128xf32, #tpu.memory_space<hbm>> -> memref<32x128xf32, #tpu.memory_space<hbm>>
          %dma_wait3A_298 = arith.constant 0 : i32
          %dma_wait3A_299 = tpu.memref_slice %arg4[%dma_wait3A_294, %dma_wait3A_298, %add3A_11] : memref<50x32x16384xf32, #tpu.memory_space<hbm>> -> memref<1x32x128xf32, #tpu.memory_space<hbm>>
          %dma_wait3A_300 = tpu.memref_squeeze %dma_wait3A_299 : memref<1x32x128xf32, #tpu.memory_space<hbm>> -> memref<32x128xf32, #tpu.memory_space<hbm>>
          tpu.wait_dma2 semaphore(%arg15 : memref<!tpu.dma_semaphore, #tpu.memory_space<semaphore_mem>>) src(%arg11 : memref<32x128xf32, #tpu.memory_space<vmem>>) dst(%dma_wait3A_300 : memref<32x128xf32, #tpu.memory_space<hbm>>)
        } else {
        }
        %dma_wait3A_179 = arith.constant 0 : i32
        %dma_wait3A_180 = tpu.memref_slice %arg6[%add3A_173, %dma_wait3A_179] : memref<50x128xi32, #tpu.memory_space<vmem>> -> memref<1x128xi32, #tpu.memory_space<vmem>>
        %dma_wait3A_181 = tpu.memref_squeeze %dma_wait3A_180 : memref<1x128xi32, #tpu.memory_space<vmem>> -> memref<128xi32, #tpu.memory_space<vmem>>
        %dma_wait3A_182 = arith.constant 0 : i32
        %dma_wait3A_183 = arith.constant 0 : i32
        %dma_wait3A_184 = tpu.memref_slice %arg3[%dma_wait3A_182, %dma_wait3A_183] : memref<250000x128xf32, #tpu.memory_space<hbm>> -> memref<250000x128xf32, #tpu.memory_space<hbm>>
        tpu.wait_indirect_dma semaphore(%arg13 : memref<!tpu.dma_semaphore, #tpu.memory_space<semaphore_mem>>) src(%dma_wait3A_184 : memref<250000x128xf32, #tpu.memory_space<hbm>>) dst(%arg9 : memref<128x128xf32, #tpu.memory_space<vmem>>)
        %add3A_185 = arith.constant 0 : i32
        %add3A_186 = vector.broadcast %add3A_185 : i32 to vector<16xi32>
        %add3A_187 = arith.addi %iota3A, %add3A_186 : vector<16xi32>
        %get3A_188 = arith.index_cast %add3A_173 : i32 to index
        %get3A_189 = arith.constant 0 : index
        %get3A_190 = tpu.vector_load %arg7[%get3A_188, %get3A_189] {strides = array<i32>} : memref<50x128xi32, #tpu.memory_space<vmem>>, vector<16xi32>,
        %scan3A_191 = arith.constant 0 : i32
        %scan3A_192 = arith.constant 0 : i32
        %scan3A_193 = arith.constant 32 : i32
        %scan3A_194 = arith.addi %scan3A_192, %scan3A_193 : i32
        %scan3A_195 = arith.constant 1 : i32
        scf.for %scan3A_294 = %scan3A_192 to %scan3A_194 step %scan3A_195  : i32 {
          %add3A_295 = vector.broadcast %scan3A_294 : i32 to vector<16xi32>
          %add3A_296 = arith.addi %get3A_190, %add3A_295 : vector<16xi32>
          %gather3A = tpu.vector_load_idx %arg9[%add3A_187, %add3A_296] : memref<128x128xf32, #tpu.memory_space<vmem>>[vector<16xi32>, vector<16xi32>], vector<16xf32>,
          %swap3A = arith.index_cast %scan3A_294 : i32 to index
          %swap3A_297 = arith.constant 0 : index
          %swap3A_298 = tpu.vector_load %arg11[%swap3A, %swap3A_297] {strides = array<i32>} : memref<32x128xf32, #tpu.memory_space<vmem>>, vector<16xf32>,
          tpu.vector_store %arg11[%swap3A, %swap3A_297], %gather3A {strides = array<i32>} : memref<32x128xf32, #tpu.memory_space<vmem>>, vector<16xf32>,
        }
        %scan3A_196 = arith.constant 32 : i32
        %add3A_197 = arith.constant 16 : i32
        %add3A_198 = vector.broadcast %add3A_197 : i32 to vector<16xi32>
        %add3A_199 = arith.addi %iota3A, %add3A_198 : vector<16xi32>
        %get3A_200 = arith.index_cast %add3A_173 : i32 to index
        %get3A_201 = arith.constant 16 : index
        %get3A_202 = tpu.vector_load %arg7[%get3A_200, %get3A_201] {strides = array<i32>} : memref<50x128xi32, #tpu.memory_space<vmem>>, vector<16xi32>,
        %scan3A_203 = arith.constant 0 : i32
        %scan3A_204 = arith.constant 0 : i32
        %scan3A_205 = arith.constant 32 : i32
        %scan3A_206 = arith.addi %scan3A_204, %scan3A_205 : i32
        %scan3A_207 = arith.constant 1 : i32
        scf.for %scan3A_294 = %scan3A_204 to %scan3A_206 step %scan3A_207  : i32 {
          %add3A_295 = vector.broadcast %scan3A_294 : i32 to vector<16xi32>
          %add3A_296 = arith.addi %get3A_202, %add3A_295 : vector<16xi32>
          %gather3A = tpu.vector_load_idx %arg9[%add3A_199, %add3A_296] : memref<128x128xf32, #tpu.memory_space<vmem>>[vector<16xi32>, vector<16xi32>], vector<16xf32>,
          %swap3A = arith.index_cast %scan3A_294 : i32 to index
          %swap3A_297 = arith.constant 16 : index
          %swap3A_298 = tpu.vector_load %arg11[%swap3A, %swap3A_297] {strides = array<i32>} : memref<32x128xf32, #tpu.memory_space<vmem>>, vector<16xf32>,
          tpu.vector_store %arg11[%swap3A, %swap3A_297], %gather3A {strides = array<i32>} : memref<32x128xf32, #tpu.memory_space<vmem>>, vector<16xf32>,
        }
        %scan3A_208 = arith.constant 32 : i32
        %add3A_209 = arith.constant 32 : i32
        %add3A_210 = vector.broadcast %add3A_209 : i32 to vector<16xi32>
        %add3A_211 = arith.addi %iota3A, %add3A_210 : vector<16xi32>
        %get3A_212 = arith.index_cast %add3A_173 : i32 to index
        %get3A_213 = arith.constant 32 : index
        %get3A_214 = tpu.vector_load %arg7[%get3A_212, %get3A_213] {strides = array<i32>} : memref<50x128xi32, #tpu.memory_space<vmem>>, vector<16xi32>,
        %scan3A_215 = arith.constant 0 : i32
        %scan3A_216 = arith.constant 0 : i32
        %scan3A_217 = arith.constant 32 : i32
        %scan3A_218 = arith.addi %scan3A_216, %scan3A_217 : i32
        %scan3A_219 = arith.constant 1 : i32
        scf.for %scan3A_294 = %scan3A_216 to %scan3A_218 step %scan3A_219  : i32 {
          %add3A_295 = vector.broadcast %scan3A_294 : i32 to vector<16xi32>
          %add3A_296 = arith.addi %get3A_214, %add3A_295 : vector<16xi32>
          %gather3A = tpu.vector_load_idx %arg9[%add3A_211, %add3A_296] : memref<128x128xf32, #tpu.memory_space<vmem>>[vector<16xi32>, vector<16xi32>], vector<16xf32>,
          %swap3A = arith.index_cast %scan3A_294 : i32 to index
          %swap3A_297 = arith.constant 32 : index
          %swap3A_298 = tpu.vector_load %arg11[%swap3A, %swap3A_297] {strides = array<i32>} : memref<32x128xf32, #tpu.memory_space<vmem>>, vector<16xf32>,
          tpu.vector_store %arg11[%swap3A, %swap3A_297], %gather3A {strides = array<i32>} : memref<32x128xf32, #tpu.memory_space<vmem>>, vector<16xf32>,
        }
        %scan3A_220 = arith.constant 32 : i32
        %add3A_221 = arith.constant 48 : i32
        %add3A_222 = vector.broadcast %add3A_221 : i32 to vector<16xi32>
        %add3A_223 = arith.addi %iota3A, %add3A_222 : vector<16xi32>
        %get3A_224 = arith.index_cast %add3A_173 : i32 to index
        %get3A_225 = arith.constant 48 : index
        %get3A_226 = tpu.vector_load %arg7[%get3A_224, %get3A_225] {strides = array<i32>} : memref<50x128xi32, #tpu.memory_space<vmem>>, vector<16xi32>,
        %scan3A_227 = arith.constant 0 : i32
        %scan3A_228 = arith.constant 0 : i32
        %scan3A_229 = arith.constant 32 : i32
        %scan3A_230 = arith.addi %scan3A_228, %scan3A_229 : i32
        %scan3A_231 = arith.constant 1 : i32
        scf.for %scan3A_294 = %scan3A_228 to %scan3A_230 step %scan3A_231  : i32 {
          %add3A_295 = vector.broadcast %scan3A_294 : i32 to vector<16xi32>
          %add3A_296 = arith.addi %get3A_226, %add3A_295 : vector<16xi32>
          %gather3A = tpu.vector_load_idx %arg9[%add3A_223, %add3A_296] : memref<128x128xf32, #tpu.memory_space<vmem>>[vector<16xi32>, vector<16xi32>], vector<16xf32>,
          %swap3A = arith.index_cast %scan3A_294 : i32 to index
          %swap3A_297 = arith.constant 48 : index
          %swap3A_298 = tpu.vector_load %arg11[%swap3A, %swap3A_297] {strides = array<i32>} : memref<32x128xf32, #tpu.memory_space<vmem>>, vector<16xf32>,
          tpu.vector_store %arg11[%swap3A, %swap3A_297], %gather3A {strides = array<i32>} : memref<32x128xf32, #tpu.memory_space<vmem>>, vector<16xf32>,
        }
        %scan3A_232 = arith.constant 32 : i32
        %add3A_233 = arith.constant 64 : i32
        %add3A_234 = vector.broadcast %add3A_233 : i32 to vector<16xi32>
        %add3A_235 = arith.addi %iota3A, %add3A_234 : vector<16xi32>
        %get3A_236 = arith.index_cast %add3A_173 : i32 to index
        %get3A_237 = arith.constant 64 : index
        %get3A_238 = tpu.vector_load %arg7[%get3A_236, %get3A_237] {strides = array<i32>} : memref<50x128xi32, #tpu.memory_space<vmem>>, vector<16xi32>,
        %scan3A_239 = arith.constant 0 : i32
        %scan3A_240 = arith.constant 0 : i32
        %scan3A_241 = arith.constant 32 : i32
        %scan3A_242 = arith.addi %scan3A_240, %scan3A_241 : i32
        %scan3A_243 = arith.constant 1 : i32
        scf.for %scan3A_294 = %scan3A_240 to %scan3A_242 step %scan3A_243  : i32 {
          %add3A_295 = vector.broadcast %scan3A_294 : i32 to vector<16xi32>
          %add3A_296 = arith.addi %get3A_238, %add3A_295 : vector<16xi32>
          %gather3A = tpu.vector_load_idx %arg9[%add3A_235, %add3A_296] : memref<128x128xf32, #tpu.memory_space<vmem>>[vector<16xi32>, vector<16xi32>], vector<16xf32>,
          %swap3A = arith.index_cast %scan3A_294 : i32 to index
          %swap3A_297 = arith.constant 64 : index
          %swap3A_298 = tpu.vector_load %arg11[%swap3A, %swap3A_297] {strides = array<i32>} : memref<32x128xf32, #tpu.memory_space<vmem>>, vector<16xf32>,
          tpu.vector_store %arg11[%swap3A, %swap3A_297], %gather3A {strides = array<i32>} : memref<32x128xf32, #tpu.memory_space<vmem>>, vector<16xf32>,
        }
        %scan3A_244 = arith.constant 32 : i32
        %add3A_245 = arith.constant 80 : i32
        %add3A_246 = vector.broadcast %add3A_245 : i32 to vector<16xi32>
        %add3A_247 = arith.addi %iota3A, %add3A_246 : vector<16xi32>
        %get3A_248 = arith.index_cast %add3A_173 : i32 to index
        %get3A_249 = arith.constant 80 : index
        %get3A_250 = tpu.vector_load %arg7[%get3A_248, %get3A_249] {strides = array<i32>} : memref<50x128xi32, #tpu.memory_space<vmem>>, vector<16xi32>,
        %scan3A_251 = arith.constant 0 : i32
        %scan3A_252 = arith.constant 0 : i32
        %scan3A_253 = arith.constant 32 : i32
        %scan3A_254 = arith.addi %scan3A_252, %scan3A_253 : i32
        %scan3A_255 = arith.constant 1 : i32
        scf.for %scan3A_294 = %scan3A_252 to %scan3A_254 step %scan3A_255  : i32 {
          %add3A_295 = vector.broadcast %scan3A_294 : i32 to vector<16xi32>
          %add3A_296 = arith.addi %get3A_250, %add3A_295 : vector<16xi32>
          %gather3A = tpu.vector_load_idx %arg9[%add3A_247, %add3A_296] : memref<128x128xf32, #tpu.memory_space<vmem>>[vector<16xi32>, vector<16xi32>], vector<16xf32>,
          %swap3A = arith.index_cast %scan3A_294 : i32 to index
          %swap3A_297 = arith.constant 80 : index
          %swap3A_298 = tpu.vector_load %arg11[%swap3A, %swap3A_297] {strides = array<i32>} : memref<32x128xf32, #tpu.memory_space<vmem>>, vector<16xf32>,
          tpu.vector_store %arg11[%swap3A, %swap3A_297], %gather3A {strides = array<i32>} : memref<32x128xf32, #tpu.memory_space<vmem>>, vector<16xf32>,
        }
        %scan3A_256 = arith.constant 32 : i32
        %add3A_257 = arith.constant 96 : i32
        %add3A_258 = vector.broadcast %add3A_257 : i32 to vector<16xi32>
        %add3A_259 = arith.addi %iota3A, %add3A_258 : vector<16xi32>
        %get3A_260 = arith.index_cast %add3A_173 : i32 to index
        %get3A_261 = arith.constant 96 : index
        %get3A_262 = tpu.vector_load %arg7[%get3A_260, %get3A_261] {strides = array<i32>} : memref<50x128xi32, #tpu.memory_space<vmem>>, vector<16xi32>,
        %scan3A_263 = arith.constant 0 : i32
        %scan3A_264 = arith.constant 0 : i32
        %scan3A_265 = arith.constant 32 : i32
        %scan3A_266 = arith.addi %scan3A_264, %scan3A_265 : i32
        %scan3A_267 = arith.constant 1 : i32
        scf.for %scan3A_294 = %scan3A_264 to %scan3A_266 step %scan3A_267  : i32 {
          %add3A_295 = vector.broadcast %scan3A_294 : i32 to vector<16xi32>
          %add3A_296 = arith.addi %get3A_262, %add3A_295 : vector<16xi32>
          %gather3A = tpu.vector_load_idx %arg9[%add3A_259, %add3A_296] : memref<128x128xf32, #tpu.memory_space<vmem>>[vector<16xi32>, vector<16xi32>], vector<16xf32>,
          %swap3A = arith.index_cast %scan3A_294 : i32 to index
          %swap3A_297 = arith.constant 96 : index
          %swap3A_298 = tpu.vector_load %arg11[%swap3A, %swap3A_297] {strides = array<i32>} : memref<32x128xf32, #tpu.memory_space<vmem>>, vector<16xf32>,
          tpu.vector_store %arg11[%swap3A, %swap3A_297], %gather3A {strides = array<i32>} : memref<32x128xf32, #tpu.memory_space<vmem>>, vector<16xf32>,
        }
        %scan3A_268 = arith.constant 32 : i32
        %add3A_269 = arith.constant 112 : i32
        %add3A_270 = vector.broadcast %add3A_269 : i32 to vector<16xi32>
        %add3A_271 = arith.addi %iota3A, %add3A_270 : vector<16xi32>
        %get3A_272 = arith.index_cast %add3A_173 : i32 to index
        %get3A_273 = arith.constant 112 : index
        %get3A_274 = tpu.vector_load %arg7[%get3A_272, %get3A_273] {strides = array<i32>} : memref<50x128xi32, #tpu.memory_space<vmem>>, vector<16xi32>,
        %scan3A_275 = arith.constant 0 : i32
        %scan3A_276 = arith.constant 0 : i32
        %scan3A_277 = arith.constant 32 : i32
        %scan3A_278 = arith.addi %scan3A_276, %scan3A_277 : i32
        %scan3A_279 = arith.constant 1 : i32
        scf.for %scan3A_294 = %scan3A_276 to %scan3A_278 step %scan3A_279  : i32 {
          %add3A_295 = vector.broadcast %scan3A_294 : i32 to vector<16xi32>
          %add3A_296 = arith.addi %get3A_274, %add3A_295 : vector<16xi32>
          %gather3A = tpu.vector_load_idx %arg9[%add3A_271, %add3A_296] : memref<128x128xf32, #tpu.memory_space<vmem>>[vector<16xi32>, vector<16xi32>], vector<16xf32>,
          %swap3A = arith.index_cast %scan3A_294 : i32 to index
          %swap3A_297 = arith.constant 112 : index
          %swap3A_298 = tpu.vector_load %arg11[%swap3A, %swap3A_297] {strides = array<i32>} : memref<32x128xf32, #tpu.memory_space<vmem>>, vector<16xf32>,
          tpu.vector_store %arg11[%swap3A, %swap3A_297], %gather3A {strides = array<i32>} : memref<32x128xf32, #tpu.memory_space<vmem>>, vector<16xf32>,
        }
        %scan3A_280 = arith.constant 32 : i32
        %dma_start3A_281 = arith.constant 0 : i32
        %dma_start3A_282 = tpu.memref_slice %arg4[%add3A_173, %dma_start3A_281, %add3A_11] : memref<50x32x16384xf32, #tpu.memory_space<hbm>> -> memref<1x32x128xf32, #tpu.memory_space<hbm>>
        %dma_start3A_283 = tpu.memref_squeeze %dma_start3A_282 : memref<1x32x128xf32, #tpu.memory_space<hbm>> -> memref<32x128xf32, #tpu.memory_space<hbm>>
        %dma_start3A_284 = arith.constant 0 : i32
        %dma_start3A_285 = tpu.memref_slice %arg4[%add3A_173, %dma_start3A_284, %add3A_11] : memref<50x32x16384xf32, #tpu.memory_space<hbm>> -> memref<1x32x128xf32, #tpu.memory_space<hbm>>
        %dma_start3A_286 = tpu.memref_squeeze %dma_start3A_285 : memref<1x32x128xf32, #tpu.memory_space<hbm>> -> memref<32x128xf32, #tpu.memory_space<hbm>>
        tpu.enqueue_dma source(%arg11 : memref<32x128xf32, #tpu.memory_space<vmem>>) target(%dma_start3A_286 : memref<32x128xf32, #tpu.memory_space<hbm>>) target_semaphore(%arg15 : memref<!tpu.dma_semaphore, #tpu.memory_space<semaphore_mem>>)
        %add3A_287 = arith.constant 2 : i32
        %add3A_288 = arith.addi %add3A_173, %add3A_287 : i32
        %lt3A_289 = arith.constant 50 : i32
        %lt3A_290 = arith.cmpi slt, %add3A_288, %lt3A_289 : i32
        %convert_element_type3A_291 = arith.extui %lt3A_290 : i1 to i32
        %cond3A_292 = arith.constant 0 : i32
        %cond3A_293 = arith.cmpi ne, %convert_element_type3A_291, %cond3A_292 : i32
        scf.if %cond3A_293 {
          %add3A_294 = arith.constant 2 : i32
          %add3A_295 = arith.addi %add3A_173, %add3A_294 : i32
          %dma_start3A_296 = arith.constant 0 : i32
          %dma_start3A_297 = tpu.memref_slice %arg6[%add3A_295, %dma_start3A_296] : memref<50x128xi32, #tpu.memory_space<vmem>> -> memref<1x128xi32, #tpu.memory_space<vmem>>
          %dma_start3A_298 = tpu.memref_squeeze %dma_start3A_297 : memref<1x128xi32, #tpu.memory_space<vmem>> -> memref<128xi32, #tpu.memory_space<vmem>>
          %dma_start3A_299 = arith.constant 0 : i32
          %dma_start3A_300 = arith.constant 0 : i32
          %dma_start3A_301 = tpu.memref_slice %arg3[%dma_start3A_299, %dma_start3A_300] : memref<250000x128xf32, #tpu.memory_space<hbm>> -> memref<250000x128xf32, #tpu.memory_space<hbm>>
          tpu.enqueue_indirect_dma source(%dma_start3A_301 : memref<250000x128xf32, #tpu.memory_space<hbm>>) target(%arg9 : memref<128x128xf32, #tpu.memory_space<vmem>>) offsets(%dma_start3A_298 : memref<128xi32, #tpu.memory_space<vmem>>) semaphore(%arg13 : memref<!tpu.dma_semaphore, #tpu.memory_space<semaphore_mem>>)
        } else {
        }
      }
      %scan3A_36 = arith.constant 25 : i32
      %dma_wait3A = arith.constant 0 : i32
      %dma_wait3A_37 = arith.constant 0 : i32
      %dma_wait3A_38 = tpu.memref_slice %arg4[%dma_wait3A, %dma_wait3A_37, %add3A_11] : memref<50x32x16384xf32, #tpu.memory_space<hbm>> -> memref<1x32x128xf32, #tpu.memory_space<hbm>>
      %dma_wait3A_39 = tpu.memref_squeeze %dma_wait3A_38 : memref<1x32x128xf32, #tpu.memory_space<hbm>> -> memref<32x128xf32, #tpu.memory_space<hbm>>
      %dma_wait3A_40 = arith.constant 0 : i32
      %dma_wait3A_41 = tpu.memref_slice %arg4[%dma_wait3A, %dma_wait3A_40, %add3A_11] : memref<50x32x16384xf32, #tpu.memory_space<hbm>> -> memref<1x32x128xf32, #tpu.memory_space<hbm>>
      %dma_wait3A_42 = tpu.memref_squeeze %dma_wait3A_41 : memref<1x32x128xf32, #tpu.memory_space<hbm>> -> memref<32x128xf32, #tpu.memory_space<hbm>>
      tpu.wait_dma2 semaphore(%arg14 : memref<!tpu.dma_semaphore, #tpu.memory_space<semaphore_mem>>) src(%arg10 : memref<32x128xf32, #tpu.memory_space<vmem>>) dst(%dma_wait3A_42 : memref<32x128xf32, #tpu.memory_space<hbm>>)
      %dma_wait3A_43 = arith.constant 0 : i32
      %dma_wait3A_44 = arith.constant 0 : i32
      %dma_wait3A_45 = tpu.memref_slice %arg4[%dma_wait3A_43, %dma_wait3A_44, %add3A_11] : memref<50x32x16384xf32, #tpu.memory_space<hbm>> -> memref<1x32x128xf32, #tpu.memory_space<hbm>>
      %dma_wait3A_46 = tpu.memref_squeeze %dma_wait3A_45 : memref<1x32x128xf32, #tpu.memory_space<hbm>> -> memref<32x128xf32, #tpu.memory_space<hbm>>
      %dma_wait3A_47 = arith.constant 0 : i32
      %dma_wait3A_48 = tpu.memref_slice %arg4[%dma_wait3A_43, %dma_wait3A_47, %add3A_11] : memref<50x32x16384xf32, #tpu.memory_space<hbm>> -> memref<1x32x128xf32, #tpu.memory_space<hbm>>
      %dma_wait3A_49 = tpu.memref_squeeze %dma_wait3A_48 : memref<1x32x128xf32, #tpu.memory_space<hbm>> -> memref<32x128xf32, #tpu.memory_space<hbm>>
      tpu.wait_dma2 semaphore(%arg15 : memref<!tpu.dma_semaphore, #tpu.memory_space<semaphore_mem>>) src(%arg11 : memref<32x128xf32, #tpu.memory_space<vmem>>) dst(%dma_wait3A_49 : memref<32x128xf32, #tpu.memory_space<hbm>>)
    }
    %scan3A_7 = arith.constant 4 : i32
    return
  }
}

</mosaic_0001>

<sc_bundles>
// kernel: kernel.3.cloned.1.call-start
scs
__scs_entry_jumppad:
0x0: {  	(pc) =	sbr.rel $0x88, $3  }
0x1: {  	(tag) =	ssettag $0x0;
	lr =	simm.s32 $0x1  }
0x2: {  	[smem:$0x3F9F] =	sst lr;
	_ =	strace $0xD0000000  }
0x3: {  	_ = 	snop  }
0x4: {  	_ = 	snop  }
0x5: {  	_ = 	snop  }
0x6: {  	_ = 	snop  }
0x7: {  	_ = 	snop  }
__scs_overlays_trampoline_lowered:
0x8: {  	[smem:$0x3FAE] =	sst s0  }
0x9: {  	[smem:$0x3FAF] =	sst s1  }
0xa: {  	[smem:$0x3FB0] =	sst s2  }
0xb: {  	[smem:$0x3FB1] =	sst s3  }
0xc: {  	[smem:$0x3FB2] =	sst s4  }
0xd: {  	[smem:$0x3FB3] =	sst s5  }
0xe: {  	[smem:$0x3FB4] =	sst s6  }
0xf: {  	[smem:$0x3FB5] =	sst s7  }
0x10: {  	[smem:$0x3FB6] =	sst s8  }
0x11: {  	[smem:$0x3FB7] =	sst s9;
	s0 =	simm.s32 @!p0 $0x0  }
0x12: {  	s1 =	sld [smem:$0x3F9D];
	s0 =	simm.s32 @p0 $0x1  }
0x13: {  	[smem:$0x3FB8] =	sst s0;
	s0 =	simm.s32 @!p1 $0x0  }
0x14: {  	s2 =	sld [smem:$0x3F9C];
	s0 =	simm.s32 @p1 $0x1  }
0x15: {  	[smem:$0x3FB9] =	sst s0;
	s0 =	simm.s32 @!p2 $0x0  }
0x16: {  	s3 =	sld [smem:$0x3FDB];
	s0 =	simm.s32 @p2 $0x1  }
0x17: {  	s4 =	simm.s32 $0x1BF5;
	[smem:$0x3FBB] =	sst s0  }
0x18: {  	s0 =	sld [smem:$0x3F9E];
	_ =	swait.ge [sflag:s4], $0x0  }
0x19: {  	s7 =	sld [smem:$0x3F9F]  }
0x1a: {  	s8 =	sadd.s32 $0xFFFFE003, lr  }
0x1b: {  	s9 =	sadd.s32 $0xFFFFFEF7, lr;
	s5 =	simm.s32 $0xFFFFFFFF;
	p2 =	slt.u32 s8, $0xFFFFF086  }
0x1c: {  	p1 =	slt.u32 s9, $0xF7A;
	s5 =	simm.s32 @!p2 $0x0  }
0x1d: {  	s5 =	simm.s32 @p1 $0x1;
	p0 =	seq.s32 s7, s2  }
0x1e: {  	s7 =	smul.u32 @!p0 $0xF7A, s2;
	p2 =	seq.s32 @!p0 s5, $0x0  }
0x1f: {  	s9 =	smul.u32 $0xF7A, s1;
	s8 =	simm.s32 @!p0 $0x1BF5;
	p2 =	por !p2, p0  }
0x20: {  	[sflag:s8] =	ssyncset.s32 @!p0 $0xFFFFF086;
	s6 =	sadd.s32 @!p0 s3, s7;
	s7 =	simm.s32 @!p0 $0x108  }
0x21: {  	s3 =	sadd.s32 s3, s9;
	s6 =	sadd.s32 @!p0 $0x88, s6;
	s7 =	simm.s32 @p2 $0x1082  }
0x22: {  	[simem:s7], [sflag:s8] =	dma.local @!p0 [hbm:s6], $0xF7A  }
0x23: {  	s9 =	sor.u32 $0xD0000000, s2;
	s6 =	simm.s32 $0x108;
	_ =	swait.ge @!p0 [sflag:s8], $0x0  }
0x24: {  	s3 =	sadd.s32 $0x88, s3;
	s6 =	simm.s32 @!p1 $0x1082;
	[sflag:s4] =	ssyncset.s32 $0xFFFFF086  }
0x25: {  	[simem:s6], [sflag:s4] =	dma.local [hbm:s3], $0xF7A  }
0x26: {  	[smem:$0x3F9F] =	sst s1;
	(tag) =	ssettag s2;
	_ =	strace s9  }
0x27: {  	s1 =	sld [smem:$0x3FAF]  }
0x28: {  	s2 =	sld [smem:$0x3FB0]  }
0x29: {  	s4 =	sld [smem:$0x3FB2]  }
0x2a: {  	p0 =	seq.s32 s5, $0x0;
	s5 =	sld [smem:$0x3FB3]  }
0x2b: {  	s6 =	sld [smem:$0x3FB4]  }
0x2c: {  	s7 =	sld [smem:$0x3FB5]  }
0x2d: {  	s3 =	simm.s32 $0x108;
	s8 =	sld [smem:$0x3FB6]  }
0x2e: {  	s3 =	simm.s32 @!p0 $0x1082;
	s9 =	sld [smem:$0x3FB7]  }
0x2f: {  	lr =	sadd.s32 s0, s3;
	s0 =	sld [smem:$0x3FAE]  }
0x30: {  	s3 =	sld [smem:$0x3FB1]  }
0x31: {  	[smem:$0x3FBA] =	sst s10  }
0x32: {  	s10 =	sld [smem:$0x3FB8];
	_ =	sdelay $0x3  }
0x33: {  	p0 =	seq.s32 s10, $0x1;
	s10 =	sld [smem:$0x3FBA];
	_ =	sdelay $0x3  }
0x34: {  	[smem:$0x3FBA] =	sst s10  }
0x35: {  	s10 =	sld [smem:$0x3FB9];
	_ =	sdelay $0x3  }
0x36: {  	p1 =	seq.s32 s10, $0x1;
	s10 =	sld [smem:$0x3FBA];
	_ =	sdelay $0x3  }
0x37: {  	[smem:$0x3FBA] =	sst s10  }
0x38: {  	s10 =	sld [smem:$0x3FBB]  }
0x39: {  	_ = 	snop;
	(pc) =	sbr.ind lr, $3  }
0x3a: {  	_ = 	snop  }
0x3b: {  	_ = 	snop  }
0x3c: {  	p2 =	seq.s32 s10, $0x1;
	s10 =	sld [smem:$0x3FBA]  }
0x3d: {  	_ =	shalt  }
0x3e: {  	_ =	shalt  }
0x3f: {  	_ =	shalt  }
0x40: {  	_ =	shalt  }
0x41: {  	_ =	shalt  }
0x42: {  	_ =	shalt  }
0x43: {  	_ =	shalt  }
0x44: {  	_ =	shalt  }
0x45: {  	_ =	shalt  }
0x46: {  	_ =	shalt  }
0x47: {  	_ =	shalt  }
0x48: {  	_ =	shalt  }
0x49: {  	_ =	shalt  }
0x4a: {  	_ =	shalt  }
0x4b: {  	_ =	shalt  }
0x4c: {  	_ =	shalt  }
0x4d: {  	_ =	shalt  }
0x4e: {  	_ =	shalt  }
0x4f: {  	_ =	shalt  }
0x50: {  	_ =	shalt  }
0x51: {  	_ =	shalt  }
0x52: {  	_ =	shalt  }
0x53: {  	_ =	shalt  }
0x54: {  	_ =	shalt  }
0x55: {  	_ =	shalt  }
0x56: {  	_ =	shalt  }
0x57: {  	_ =	shalt  }
0x58: {  	_ =	shalt  }
0x59: {  	_ =	shalt  }
0x5a: {  	_ =	shalt  }
0x5b: {  	_ =	shalt  }
0x5c: {  	_ =	shalt  }
0x5d: {  	_ =	shalt  }
0x5e: {  	_ =	shalt  }
0x5f: {  	_ =	shalt  }
0x60: {  	_ =	shalt  }
0x61: {  	_ =	shalt  }
0x62: {  	_ =	shalt  }
0x63: {  	_ =	shalt  }
0x64: {  	_ =	shalt  }
0x65: {  	_ =	shalt  }
0x66: {  	_ =	shalt  }
0x67: {  	_ =	shalt  }
0x68: {  	_ =	shalt  }
0x69: {  	_ =	shalt  }
0x6a: {  	_ =	shalt  }
0x6b: {  	_ =	shalt  }
0x6c: {  	_ =	shalt  }
0x6d: {  	_ =	shalt  }
0x6e: {  	_ =	shalt  }
0x6f: {  	_ =	shalt  }
0x70: {  	_ =	shalt  }
0x71: {  	_ =	shalt  }
0x72: {  	_ =	shalt  }
0x73: {  	_ =	shalt  }
0x74: {  	_ =	shalt  }
0x75: {  	_ =	shalt  }
0x76: {  	_ =	shalt  }
0x77: {  	_ =	shalt  }
0x78: {  	_ =	shalt  }
0x79: {  	_ =	shalt  }
0x7a: {  	_ =	shalt  }
0x7b: {  	_ =	shalt  }
0x7c: {  	_ =	shalt  }
0x7d: {  	_ =	shalt  }
0x7e: {  	_ =	shalt  }
0x7f: {  	_ =	shalt  }
0x80: {  	_ =	shalt  }
0x81: {  	_ =	shalt  }
0x82: {  	_ =	shalt  }
0x83: {  	_ =	shalt  }
0x84: {  	_ =	shalt  }
0x85: {  	_ =	shalt  }
0x86: {  	_ =	shalt  }
0x87: {  	_ =	shalt  }
.Lfunc_end0:
.L_simem_size_0:
called_computation_lowered:
.L_overlay_start_0:
0x88: {  	s2 =	sld [smem:$0x3FD9]  }
0x89: {  	s3 =	sld [smem:$0x3FFE];
	_ =	sdelay $0x1  }
0x8a: {  	s1 =	srdreg.scid  }
0x8b: {  	s0 =	sand.u32 $0x1, s1  }
0x8c: {  	s17 =	sshll.u32 s0, $0xA;
	s2 =	sadd.s32 s3, s2  }
0x8d: {  	s2 =	sadd.s32 s2, s17  }
0x8e: {  	[smem:$0x3FC6] =	sst s2  }
0x8f: {  	_ = 	snop  }
0x90: {  	s2 =	sld [smem:$0x3FC9]  }
0x91: {  	s18 =	sld [smem:$0x3FD0];
	(tm) =	ssettm $0x1  }
0x92: {  	s4 =	sld [smem:$0x3FFB];
	_ =	sdelay $0x3  }
0x93: {  	_ =	strace s4  }
0x94: {  	s4 =	sld [smem:$0x3FFC];
	_ =	sdelay $0x3  }
0x95: {  	_ =	strace s4  }
0x96: {  	s4 =	sld [smem:$0x3FFD];
	_ =	sdelay $0x3  }
0x97: {  	_ =	strace s4  }
0x98: {  	_ =	strace $0x8FFFFFFF  }
0x99: {  	s19 =	sld [smem:$0x3FDB];
	_ =	sdelay $0x1  }
0x9a: {  	s5 =	simm.s32 $_scs_section_size  }
0x9b: {  	s6 =	simm.s32 $_size__tile_overlayer_lowered;
	s7 =	simm.s32 $_tile_overlayer_lowered  }
0x9c: {  	s22 =	simm.s32 $0x1BFF;
	s21 =	sshll.u32 s7, $0x1;
	s4 =	sadd.s32 s5, s19  }
0x9d: {  	s8 =	simm.s32 $0x0;
	s20 =	sshll.u32 s6, $0x1;
	s6 =	sadd.s32 s21, s4  }
0x9e: {  	[timem:s8], [sflag:s22] =	dma.local [hbm:s6], s20  }
0x9f: {  	_ =	swait.ge [sflag:s22], s20  }
0xa0: {  	s5 =	ssub.s32 $0x0, s20;
	[sflag:s22] =	ssyncset.done $0x0  }
0xa1: {  	[sflag:s22] =	ssyncadd.s32 s5;
	_ =	sdelay $0x1  }
0xa2: {  	s23 =	simm.s32 $0x1B8B  }
0xa3: {  	_ =	swait.ge [sflag:s23], $0x1  }
0xa4: {  	[sflag:s23] =	ssyncset.done $0x0  }
0xa5: {  	s25 =	simm.s32 $0x1B8E;
	s24 =	sld [smem:$0x3FFE];
	[sflag:s23] =	ssyncadd.s32 $0xFFFFFFFF  }
0xa6: {  	s26 =	simm.s32 $execute0_lowered;
	[smem:$0x3FD2] =	sst s25  }
0xa7: {  	s6 =	sshll.u32 s26, $0x1;
	_ =	strace $0x80000046;
	[dreg:$0x1] =	wrdreg $0xFFFFFFFF  }
0xa8: {  	s28 =	simm.s32 $_size_execute0_lowered;
	s4 =	sadd.s32 s4, s6;
	[dreg:$0x0] =	wrdreg $0x0  }
0xa9: {  	s6 =	sshll.u32 s28, $0x1;
	[dreg:$0x2] =	wrdreg s4  }
0xaa: {  	[dreg:$0x3] =	wrdreg s6  }
0xab: {  	[dreg:$0x4] =	wrdreg $0xC0  }
0xac: {  	_ =	task [dreg:s8], $0x5FFFF  }
0xad: {  	[dreg:$0x1] =	wrdreg $0xFFFFFFFF  }
0xae: {  	[dreg:$0x0] =	wrdreg $0x60  }
0xaf: {  	[dreg:$0x2] =	wrdreg s2  }
0xb0: {  	[dreg:$0x3] =	wrdreg s24  }
0xb1: {  	[dreg:$0x4] =	wrdreg s18  }
0xb2: {  	[dreg:$0x5] =	wrdreg $0x9  }
0xb3: {  	_ =	task.clear_ibuf [dreg:s8], $0x6FFFF;
	_ =	strace $0x90000046  }
0xb4: {  	s29 =	simm.s32 $0x9;
	_ =	strace $0x80000048  }
0xb5: {  	_ =	swait.ge [sflag:s29], $0x1  }
0xb6: {  	[sflag:s29] =	ssyncadd.s32 $0xFFFFFFFF  }
0xb7: {  	_ =	strace $0x90000048  }
0xb8: {  	_ =	sfence  }
0xb9: {  	s30 =	sld [smem:$0x0];
	_ =	sdelay $0x2  }
0xba: {  	s31 =	sshll.u32 s1, $0xD;
	s1 =	sshrl.u32 s1, $0x2  }
0xbb: {  	s3 =	sand.u32 $0x4000, s31;
	s1 =	sadd.s32 s1, s30  }
0xbc: {  	s0 =	sor.u32 s3, s0;
	s1 =	sshll.u32 s1, $0x11  }
0xbd: {  	s0 =	sor.u32 s1, s0  }
0xbe: {  	s0 =	sadd.s32 $0x8F2B, s0  }
0xbf: {  	[sflag:s0] =	ssyncadd.remote.s32 $0x1  }
0xc0: {  	_ =	sfence.sel $0xFFFF  }
0xc1: {  	[dreg:$0x0] =	wrdreg $0xFFFFFFFF;
	(pc) =	sbr.abs _section_cstart, $3  }
0xc2: {  	[dreg:$0x1] =	wrdreg $0xFFFFFFFF  }
0xc3: {  	_ =	task.clear_ibuf [dreg:s8], $0x2FFFF;
	_ =	strace $0x9FFFFFFF  }
0xc4: {  	(tm) =	ssettm $0x7FFFFFFF  }
0xc5: {  	_ =	shalt  }
tec
execute0_lowered:
.L_overlay_start_1:
0x0: {  	(tag) =	ssettag $0x1  }
0x1: {  	s1 =	rddreg [dreg:$0x0]  }
0x2: {  	s0 =	rddreg [dreg:$0x1]  }
0x3: {  	s2 =	rddreg [dreg:$0x2]  }
0x4: {  	s4 =	srdreg.scid;
	s3 =	simm.s32 $0x0;
	s9 =	simm.s32 $0x20000  }
0x5: {  	s10 =	simm.s32 $0x1800;
	s11 =	simm.s32 $0x5;
	s12 =	simm.s32 $0x80  }
0x6: {  	s13 =	simm.s32 $0x1C00;
	s14 =	simm.s32 $0x5400;
	s15 =	simm.s32 $0x1C80  }
0x7: {  	s16 =	simm.s32 $0x9400;
	s17 =	simm.s32 $0x1;
	s18 =	simm.s32 $0xD400  }
0x8: {  	v0 =	vlaneseq.u32;
	s19 =	simm.s32 $0x2;
	s20 =	simm.s32 $0xE400;
	s21 =	simm.s32 $0x3  }
.Ltmp0:
0x9: {  	s22 =	simm.s32 $0x4;
	s5 =	sand.u32 $0x1, s4;
	v0 =	vmul.u32 $0x80, v0;
	(pc) =	sbr.rel .LBB2_1-.Ltmp0, $4  }
0xa: {  	[smem:$0x7FF] =	sst s3;
	s4 =	stileid.u32;
	s6 =	ssub.s32 $0x2, s5  }
0xb: {  	_ =	strace $0x80000047;
	s31 =	sshll.u32 s4, $0x3;
	s7 =	sshrl.u32 s6, $0x1;
	v1 =	vor.u32 $0x800, v0  }
0xc: {  	s8 =	sshll.u32 s5, $0x2;
	s5 =	sadd.s32 $0xF42800, s0;
	v2 =	vor.u32 $0x1000, v0;
	v3 =	vor.u32 $0x1800, v0;
	v4 =	vor.u32 $0x2000, v0;
	s7 =	ssub.s32 s6, s7  }
0xd: {  	v5 =	vor.u32 $0x2800, v0;
	v6 =	vor.u32 $0x3000, v0;
	v7 =	vor.u32 $0x3800, v0;
	s6 =	sor.u32 s8, s31;
	s8 =	simm.s32 $0x400;
	s7 =	smax.u32 s7, $0x1  }
.LBB2_42:
0xe: {  	s3 =	sadd.s32 $0x1, s3  }
0xf: {  	p0 =	sne.s32 s3, s7  }
.Ltmp1:
0x10: {  	_ = 	snop;
	(pc) =	sbr.rel @!p0 .LBB2_43-.Ltmp1, $1  }
0x11: {  	_ =	sdelay $0x3  }
.LBB2_1:
.Ltmp2:
0x12: {  	(pc) =	sbr.rel .LBB2_2-.Ltmp2, $2  }
0x13: {  	_ =	sdelay $0x2  }
0x14: {  	s23 =	simm.s32 $0x0  }
.LBB2_41:
0x15: {  	s23 =	sadd.s32 $0x1, s23  }
0x16: {  	_ =	swait.ge [sflag:s21], $0x1000;
	p0 =	sne.s32 s23, $0x4  }
.Ltmp3:
0x17: {  	[sflag:s21] =	ssyncset.done $0x0;
	(pc) =	sbr.rel @!p0 .LBB2_42-.Ltmp3, $4  }
0x18: {  	[sflag:s21] =	ssyncadd.s32 $0xFFFFF000  }
0x19: {  	_ =	swait.ge [sflag:s22], $0x1000  }
0x1a: {  	[sflag:s22] =	ssyncset.done $0x0  }
0x1b: {  	[sflag:s22] =	ssyncadd.s32 $0xFFFFF000  }
.LBB2_2:
0x1c: {  	s24 =	sadd.s32 s6, s23  }
0x1d: {  	s0 =	sshll.u32 s24, $0x7  }
0x1e: {  	s25 =	simm.s32 $0x0;
	s0 =	sadd.s32 s1, s0  }
0x1f: {  	[tilespmem:s25], [sflag:$0x5] =	stream.strided.gather [hbm4b:s0+s8], $0x1800, s9, s8, $0x38;
	[tilespmem:$0xF400] =	vst v63  }
0x20: {  	s0 =	sadd.s32 $0x18000, s0  }
0x21: {  	[tilespmem:s10], [sflag:$0x5] =	stream.linear.gather [hbm4b:s0+s25], $0x100, $0x38;
	[tilespmem:$0xF400] =	vst v63  }
0x22: {  	_ =	swait.ge [sflag:s11], $0x1900  }
0x23: {  	[sflag:s11] =	ssyncset.done $0x0  }
0x24: {  	s25 =	simm.s32 $0x0;
	[sflag:s11] =	ssyncadd.s32 $0xFFFFE700  }
0x25: {  	v8 =	vld [tilespmem:s25+$0x70]  }
0x26: {  	v9 =	vld [tilespmem:s25+$0x0];
	_ =	sdelay $0x1  }
0x27: {  	v10 =	vld [tilespmem:s25+$0x10]  }
0x28: {  	v11 =	vld [tilespmem:s25+$0x20]  }
0x29: {  	v12 =	vld [tilespmem:s25+$0x30];
	v14 =	vshra.s32 v8, $0x2  }
0x2a: {  	v13 =	vld [tilespmem:s25+$0x40];
	v8 =	vshll.u32 v8, $0x5;
	v63 =	vshra.s32 v9, $0x2;
	[tilespmem:s25+$0x1C70] =	vst v14  }
0x2b: {  	v15 =	vld [tilespmem:s25+$0x50];
	v14 =	vshll.u32 v9, $0x5;
	v8 =	vand.u32 $0x60, v8;
	[tilespmem:s25+$0x1C00] =	vst v63  }
0x2c: {  	v16 =	vld [tilespmem:s25+$0x60];
	v17 =	vshll.u32 v10, $0x5;
	v14 =	vand.u32 $0x60, v14;
	[tilespmem:s25+$0x3870] =	vst v8  }
0x2d: {  	v8 =	vand.u32 $0x60, v17;
	[tilespmem:s25+$0x3800] =	vst v14;
	v14 =	vshll.u32 v11, $0x5  }
0x2e: {  	[tilespmem:s25+$0x3810] =	vst v8;
	v8 =	vand.u32 $0x60, v14;
	v14 =	vshll.u32 v12, $0x5  }
0x2f: {  	[tilespmem:s25+$0x3820] =	vst v8;
	v8 =	vand.u32 $0x60, v14;
	v14 =	vshll.u32 v13, $0x5  }
0x30: {  	[tilespmem:s25+$0x3830] =	vst v8;
	v8 =	vand.u32 $0x60, v14;
	v14 =	vshll.u32 v15, $0x5  }
0x31: {  	v9 =	vshra.s32 v11, $0x2;
	[tilespmem:s25+$0x3840] =	vst v8;
	v8 =	vand.u32 $0x60, v14;
	v14 =	vshll.u32 v16, $0x5  }
0x32: {  	v11 =	vshra.s32 v13, $0x2;
	v13 =	vshra.s32 v15, $0x2;
	[tilespmem:s25+$0x3850] =	vst v8;
	v14 =	vand.u32 $0x60, v14  }
0x33: {  	s26 =	simm.s32 $0x80;
	s28 =	simm.s32 $0x400;
	v8 =	vshra.s32 v10, $0x2;
	v10 =	vshra.s32 v12, $0x2;
	v12 =	vshra.s32 v16, $0x2;
	[tilespmem:s25+$0x3860] =	vst v14  }
.LBB2_3:
0x34: {  	p0 =	sne.s32 s28, $0x6200;
	v14 =	vld [tilespmem:s26+$0x70];
	[tilespmem:s25+$0x1C10] =	vst v8  }
0x35: {  	v8 =	vld [tilespmem:s26+$0x0];
	[tilespmem:s25+$0x1C20] =	vst v9  }
0x36: {  	v9 =	vld [tilespmem:s26+$0x10];
	[tilespmem:s25+$0x1C30] =	vst v10  }
0x37: {  	v10 =	vld [tilespmem:s26+$0x20];
	[tilespmem:s25+$0x1C40] =	vst v11  }
0x38: {  	v11 =	vld [tilespmem:s26+$0x30];
	[tilespmem:s25+$0x1C50] =	vst v13  }
0x39: {  	v13 =	vld [tilespmem:s26+$0x40];
	v15 =	vshra.s32 v14, $0x2;
	v14 =	vshll.u32 v14, $0x5;
	[tilespmem:s25+$0x1C60] =	vst v12;
	s25 =	smov.u32 s26  }
0x3a: {  	v16 =	vshra.s32 v8, $0x2;
	v8 =	vshll.u32 v8, $0x5;
	v12 =	vld [tilespmem:s25+$0x50];
	[tilespmem:s25+$0x1C70] =	vst v15;
	v14 =	vand.u32 $0x60, v14  }
0x3b: {  	v15 =	vand.u32 $0x60, v8;
	v8 =	vshra.s32 v9, $0x2;
	v9 =	vshll.u32 v9, $0x5;
	v17 =	vld [tilespmem:s25+$0x60];
	[tilespmem:s25+$0x3870] =	vst v14  }
0x3c: {  	[tilespmem:s25+$0x3800] =	vst v15;
	v14 =	vand.u32 $0x60, v9;
	v9 =	vshra.s32 v10, $0x2;
	v10 =	vshll.u32 v10, $0x5  }
0x3d: {  	[tilespmem:s25+$0x3810] =	vst v14;
	v14 =	vand.u32 $0x60, v10;
	v10 =	vshra.s32 v11, $0x2;
	v11 =	vshll.u32 v11, $0x5  }
0x3e: {  	[tilespmem:s25+$0x3820] =	vst v14;
	v14 =	vand.u32 $0x60, v11;
	v11 =	vshra.s32 v13, $0x2;
	v13 =	vshll.u32 v13, $0x5  }
.Ltmp4:
0x3f: {  	[tilespmem:s25+$0x3830] =	vst v14;
	v14 =	vand.u32 $0x60, v13;
	v13 =	vshra.s32 v12, $0x2;
	v12 =	vshll.u32 v12, $0x5;
	(pc) =	sbr.rel @p0 .LBB2_3-.Ltmp4, $4  }
0x40: {  	[tilespmem:s25+$0x3840] =	vst v14;
	v14 =	vand.u32 $0x60, v12;
	v12 =	vshra.s32 v17, $0x2;
	v15 =	vshll.u32 v17, $0x5  }
0x41: {  	[tilespmem:s25+$0x3850] =	vst v14;
	v14 =	vand.u32 $0x60, v15  }
0x42: {  	[tilespmem:s25+$0x3860] =	vst v14  }
0x43: {  	s26 =	sshra.s32 s28, $0x2;
	s28 =	sadd.s32 $0x200, s28;
	[tilespmem:s25+$0x1C00] =	vst v16  }
0x44: {  	v14 =	vld [tilespmem:s26+$0x70];
	[tilespmem:s25+$0x1C10] =	vst v8  }
0x45: {  	v8 =	vld [tilespmem:s26+$0x0];
	[tilespmem:s25+$0x1C20] =	vst v9  }
0x46: {  	v9 =	vld [tilespmem:s26+$0x10];
	[tilespmem:s25+$0x1C30] =	vst v10  }
0x47: {  	v10 =	vld [tilespmem:s26+$0x20];
	[tilespmem:s25+$0x1C40] =	vst v11  }
0x48: {  	v11 =	vld [tilespmem:s26+$0x30];
	[tilespmem:s25+$0x1C50] =	vst v13  }
0x49: {  	v13 =	vld [tilespmem:s26+$0x40];
	[tilespmem:s25+$0x1C60] =	vst v12;
	v49 =	vshra.s32 v14, $0x2;
	v14 =	vshll.u32 v14, $0x5  }
0x4a: {  	[tilespmem:s26+$0x1C70] =	vst v49;
	v14 =	vand.u32 $0x60, v14  }
0x4b: {  	v50 =	vshll.u32 v8, $0x5;
	v8 =	vshra.s32 v8, $0x2;
	[tilespmem:s26+$0x3870] =	vst v14  }
0x4c: {  	v12 =	vand.u32 $0x60, v50;
	[tilespmem:s26+$0x1C00] =	vst v8  }
0x4d: {  	v17 =	vshll.u32 v9, $0x5;
	v9 =	vshra.s32 v9, $0x2;
	[tilespmem:s26+$0x3800] =	vst v12  }
0x4e: {  	v51 =	vand.u32 $0x60, v17;
	[tilespmem:s26+$0x1C10] =	vst v9  }
0x4f: {  	v52 =	vshll.u32 v10, $0x5;
	v8 =	vshra.s32 v10, $0x2;
	[tilespmem:s26+$0x3810] =	vst v51  }
0x50: {  	v15 =	vld [tilespmem:s26+$0x50];
	v53 =	vand.u32 $0x60, v52;
	[tilespmem:s26+$0x1C20] =	vst v8  }
0x51: {  	v16 =	vld [tilespmem:s26+$0x60];
	v54 =	vshll.u32 v11, $0x5;
	v62 =	vshra.s32 v11, $0x2;
	[tilespmem:s26+$0x3820] =	vst v53  }
0x52: {  	v55 =	vand.u32 $0x60, v54;
	[tilespmem:s26+$0x1C30] =	vst v62  }
0x53: {  	v56 =	vshll.u32 v13, $0x5;
	v8 =	vshra.s32 v13, $0x2;
	[tilespmem:s26+$0x3830] =	vst v55  }
0x54: {  	v57 =	vand.u32 $0x60, v56;
	[tilespmem:s26+$0x1C40] =	vst v8  }
0x55: {  	v63 =	vshra.s32 v15, $0x2;
	[tilespmem:s26+$0x3840] =	vst v57  }
0x56: {  	v58 =	vshll.u32 v15, $0x5;
	v8 =	vshra.s32 v16, $0x2;
	[tilespmem:s26+$0x1C50] =	vst v63  }
0x57: {  	v60 =	vshll.u32 v16, $0x5;
	v59 =	vand.u32 $0x60, v58;
	[tilespmem:s26+$0x1C60] =	vst v8  }
0x58: {  	v61 =	vand.u32 $0x60, v60;
	[tilespmem:s26+$0x3850] =	vst v59  }
0x59: {  	[tilespmem:s26+$0x3860] =	vst v61  }
0x5a: {  	[tilespmem:s14], [sflag:$0x1] =	stream.indirect.gather [hbm4b:s5+s12], $0x80, s13, s12, $0xb8;
	[tilespmem:$0xF400] =	vst v63  }
0x5b: {  	s24 =	sshll.u32 s24, $0xA;
	s25 =	simm.s32 $0x0;
	s26 =	simm.s32 $0x0  }
0x5c: {  	[tilespmem:s16], [sflag:$0x2] =	stream.indirect.gather [hbm4b:s5+s12], $0x80, s15, s12, $0xb8;
	[tilespmem:$0xF400] =	vst v63  }
.LBB2_5:
0x5d: {  	p0 =	seq.s32 s26, $0x0  }
0x5e: {  	s0 =	simm.s32 @!p0 $0x3  }
0x5f: {  	_ =	swait.ge @!p0 [sflag:s0], $0x1000  }
0x60: {  	[sflag:s0] =	ssyncset.done @!p0 $0x0  }
0x61: {  	[sflag:s0] =	ssyncadd.s32 @!p0 $0xFFFFF000  }
0x62: {  	_ =	swait.ge [sflag:s17], $0x4000  }
0x63: {  	s29 =	sshll.u32 s26, $0xA;
	[sflag:s17] =	ssyncset.done $0x0  }
0x64: {  	s28 =	sshrl.u32 s29, $0x2;
	[sflag:s17] =	ssyncadd.s32 $0xFFFFC000  }
0x65: {  	v8 =	vld [tilespmem:s28+$0x3800];
	_ =	sdelay $0x4  }
0x66: {  	v9 =	vadd.s32 s25, v8  }
0x67: {  	v9 =	vadd.s32 v0, v9;
	_ =	sdelay $0x3  }
0x68: {  	s0 =	simm.s32 $0x1  }
0x69: {  	v10 =	vadd.s32 s0, v8;
	v9 =	vld.idx.msk [tilespmem:v9+s14+$0x0], $0xffff  }
0x6a: {  	v10 =	vadd.s32 v0, v10;
	_ =	sdelay $0x2  }
0x6b: {  	s31 =	simm.s32 $0xD400  }
0x6c: {  	s0 =	simm.s32 $0x2;
	[tilespmem:s31+$0x0] =	vst v9  }
0x6d: {  	s30 =	sshll.u32 s26, $0x1;
	v9 =	vld.idx.msk [tilespmem:v10+s14+$0x0], $0xffff;
	v10 =	vadd.s32 s0, v8;
	s0 =	simm.s32 $0x3  }
.LBB2_6:
0x6e: {  	p0 =	sne.s32 s0, $0x1F;
	v10 =	vadd.s32 v0, v10;
	_ =	sdelay $0x1  }
.Ltmp5:
0x6f: {  	(pc) =	sbr.rel @p0 .LBB2_6-.Ltmp5, $4  }
0x70: {  	s31 =	sadd.s32 $0x80, s31  }
0x71: {  	[tilespmem:s31+$0x0] =	vst v9  }
0x72: {  	v9 =	vld.idx.msk [tilespmem:v10+s14+$0x0], $0xffff  }
0x73: {  	v10 =	vadd.s32 s0, v8;
	s0 =	sadd.s32 $0x1, s0  }
0x74: {  	v8 =	vadd.s32 v0, v10;
	_ =	sdelay $0x2  }
0x75: {  	s0 =	sadd.s32 $0x80, s31  }
0x76: {  	[tilespmem:s0+$0x0] =	vst v9  }
0x77: {  	v8 =	vld.idx.msk [tilespmem:v8+s14+$0x0], $0xffff;
	_ =	sdelay $0x3  }
0x78: {  	s0 =	sadd.s32 $0x80, s0  }
0x79: {  	[tilespmem:s0+$0x0] =	vst v8  }
0x7a: {  	v8 =	vld [tilespmem:s28+$0x3810];
	_ =	sdelay $0x3  }
0x7b: {  	s0 =	simm.s32 $0x0  }
0x7c: {  	v9 =	vadd.s32 s0, v8  }
0x7d: {  	v9 =	vadd.s32 v1, v9;
	_ =	sdelay $0x3  }
0x7e: {  	s0 =	simm.s32 $0x1  }
0x7f: {  	v10 =	vadd.s32 s0, v8;
	v9 =	vld.idx.msk [tilespmem:v9+s14+$0x0], $0xffff  }
0x80: {  	v10 =	vadd.s32 v1, v10;
	_ =	sdelay $0x2  }
0x81: {  	s31 =	simm.s32 $0xD410  }
0x82: {  	s0 =	simm.s32 $0x2;
	[tilespmem:s31+$0x0] =	vst v9  }
0x83: {  	v9 =	vld.idx.msk [tilespmem:v10+s14+$0x0], $0xffff;
	v10 =	vadd.s32 s0, v8;
	s0 =	simm.s32 $0x3  }
.LBB2_8:
0x84: {  	p0 =	sne.s32 s0, $0x1F;
	v10 =	vadd.s32 v1, v10;
	_ =	sdelay $0x1  }
.Ltmp6:
0x85: {  	(pc) =	sbr.rel @p0 .LBB2_8-.Ltmp6, $4  }
0x86: {  	s31 =	sadd.s32 $0x80, s31  }
0x87: {  	[tilespmem:s31+$0x0] =	vst v9  }
0x88: {  	v9 =	vld.idx.msk [tilespmem:v10+s14+$0x0], $0xffff  }
0x89: {  	v10 =	vadd.s32 s0, v8;
	s0 =	sadd.s32 $0x1, s0  }
0x8a: {  	v8 =	vadd.s32 v1, v10;
	_ =	sdelay $0x2  }
0x8b: {  	s0 =	sadd.s32 $0x80, s31  }
0x8c: {  	[tilespmem:s0+$0x0] =	vst v9  }
0x8d: {  	v8 =	vld.idx.msk [tilespmem:v8+s14+$0x0], $0xffff;
	_ =	sdelay $0x3  }
0x8e: {  	s0 =	sadd.s32 $0x80, s0  }
0x8f: {  	[tilespmem:s0+$0x0] =	vst v8  }
0x90: {  	v8 =	vld [tilespmem:s28+$0x3820];
	_ =	sdelay $0x3  }
0x91: {  	s0 =	simm.s32 $0x0  }
0x92: {  	v9 =	vadd.s32 s0, v8  }
0x93: {  	v9 =	vadd.s32 v2, v9;
	_ =	sdelay $0x3  }
0x94: {  	s0 =	simm.s32 $0x1  }
0x95: {  	v10 =	vadd.s32 s0, v8;
	v9 =	vld.idx.msk [tilespmem:v9+s14+$0x0], $0xffff  }
0x96: {  	v10 =	vadd.s32 v2, v10;
	_ =	sdelay $0x2  }
0x97: {  	s31 =	simm.s32 $0xD420  }
0x98: {  	s0 =	simm.s32 $0x2;
	[tilespmem:s31+$0x0] =	vst v9  }
0x99: {  	v9 =	vld.idx.msk [tilespmem:v10+s14+$0x0], $0xffff;
	v10 =	vadd.s32 s0, v8;
	s0 =	simm.s32 $0x3  }
.LBB2_10:
0x9a: {  	p0 =	sne.s32 s0, $0x1F;
	v10 =	vadd.s32 v2, v10;
	_ =	sdelay $0x1  }
.Ltmp7:
0x9b: {  	(pc) =	sbr.rel @p0 .LBB2_10-.Ltmp7, $4  }
0x9c: {  	s31 =	sadd.s32 $0x80, s31  }
0x9d: {  	[tilespmem:s31+$0x0] =	vst v9  }
0x9e: {  	v9 =	vld.idx.msk [tilespmem:v10+s14+$0x0], $0xffff  }
0x9f: {  	v10 =	vadd.s32 s0, v8;
	s0 =	sadd.s32 $0x1, s0  }
0xa0: {  	v8 =	vadd.s32 v2, v10;
	_ =	sdelay $0x2  }
0xa1: {  	s0 =	sadd.s32 $0x80, s31  }
0xa2: {  	[tilespmem:s0+$0x0] =	vst v9  }
0xa3: {  	v8 =	vld.idx.msk [tilespmem:v8+s14+$0x0], $0xffff;
	_ =	sdelay $0x3  }
0xa4: {  	s0 =	sadd.s32 $0x80, s0  }
0xa5: {  	[tilespmem:s0+$0x0] =	vst v8  }
0xa6: {  	v8 =	vld [tilespmem:s28+$0x3830];
	_ =	sdelay $0x3  }
0xa7: {  	s0 =	simm.s32 $0x0  }
0xa8: {  	v9 =	vadd.s32 s0, v8  }
0xa9: {  	v9 =	vadd.s32 v3, v9;
	_ =	sdelay $0x3  }
0xaa: {  	s0 =	simm.s32 $0x1  }
0xab: {  	v10 =	vadd.s32 s0, v8;
	v9 =	vld.idx.msk [tilespmem:v9+s14+$0x0], $0xffff  }
0xac: {  	v10 =	vadd.s32 v3, v10;
	_ =	sdelay $0x2  }
0xad: {  	s31 =	simm.s32 $0xD430  }
0xae: {  	s0 =	simm.s32 $0x2;
	[tilespmem:s31+$0x0] =	vst v9  }
0xaf: {  	v9 =	vld.idx.msk [tilespmem:v10+s14+$0x0], $0xffff;
	v10 =	vadd.s32 s0, v8;
	s0 =	simm.s32 $0x3  }
.LBB2_12:
0xb0: {  	p0 =	sne.s32 s0, $0x1F;
	v10 =	vadd.s32 v3, v10;
	_ =	sdelay $0x1  }
.Ltmp8:
0xb1: {  	(pc) =	sbr.rel @p0 .LBB2_12-.Ltmp8, $4  }
0xb2: {  	s31 =	sadd.s32 $0x80, s31  }
0xb3: {  	[tilespmem:s31+$0x0] =	vst v9  }
0xb4: {  	v9 =	vld.idx.msk [tilespmem:v10+s14+$0x0], $0xffff  }
0xb5: {  	v10 =	vadd.s32 s0, v8;
	s0 =	sadd.s32 $0x1, s0  }
0xb6: {  	v8 =	vadd.s32 v3, v10;
	_ =	sdelay $0x2  }
0xb7: {  	s0 =	sadd.s32 $0x80, s31  }
0xb8: {  	[tilespmem:s0+$0x0] =	vst v9  }
0xb9: {  	v8 =	vld.idx.msk [tilespmem:v8+s14+$0x0], $0xffff;
	_ =	sdelay $0x3  }
0xba: {  	s0 =	sadd.s32 $0x80, s0  }
0xbb: {  	[tilespmem:s0+$0x0] =	vst v8  }
0xbc: {  	v8 =	vld [tilespmem:s28+$0x3840];
	_ =	sdelay $0x3  }
0xbd: {  	s0 =	simm.s32 $0x0  }
0xbe: {  	v9 =	vadd.s32 s0, v8  }
0xbf: {  	v9 =	vadd.s32 v4, v9;
	_ =	sdelay $0x3  }
0xc0: {  	s0 =	simm.s32 $0x1  }
0xc1: {  	v10 =	vadd.s32 s0, v8;
	v9 =	vld.idx.msk [tilespmem:v9+s14+$0x0], $0xffff  }
0xc2: {  	v10 =	vadd.s32 v4, v10;
	_ =	sdelay $0x2  }
0xc3: {  	s31 =	simm.s32 $0xD440  }
0xc4: {  	s0 =	simm.s32 $0x2;
	[tilespmem:s31+$0x0] =	vst v9  }
0xc5: {  	v9 =	vld.idx.msk [tilespmem:v10+s14+$0x0], $0xffff;
	v10 =	vadd.s32 s0, v8;
	s0 =	simm.s32 $0x3  }
.LBB2_14:
0xc6: {  	p0 =	sne.s32 s0, $0x1F;
	v10 =	vadd.s32 v4, v10;
	_ =	sdelay $0x1  }
.Ltmp9:
0xc7: {  	(pc) =	sbr.rel @p0 .LBB2_14-.Ltmp9, $4  }
0xc8: {  	s31 =	sadd.s32 $0x80, s31  }
0xc9: {  	[tilespmem:s31+$0x0] =	vst v9  }
0xca: {  	v9 =	vld.idx.msk [tilespmem:v10+s14+$0x0], $0xffff  }
0xcb: {  	v10 =	vadd.s32 s0, v8;
	s0 =	sadd.s32 $0x1, s0  }
0xcc: {  	v8 =	vadd.s32 v4, v10;
	_ =	sdelay $0x2  }
0xcd: {  	s0 =	sadd.s32 $0x80, s31  }
0xce: {  	[tilespmem:s0+$0x0] =	vst v9  }
0xcf: {  	v8 =	vld.idx.msk [tilespmem:v8+s14+$0x0], $0xffff;
	_ =	sdelay $0x3  }
0xd0: {  	s0 =	sadd.s32 $0x80, s0  }
0xd1: {  	[tilespmem:s0+$0x0] =	vst v8  }
0xd2: {  	v8 =	vld [tilespmem:s28+$0x3850];
	_ =	sdelay $0x3  }
0xd3: {  	s0 =	simm.s32 $0x0  }
0xd4: {  	v9 =	vadd.s32 s0, v8  }
0xd5: {  	v9 =	vadd.s32 v5, v9;
	_ =	sdelay $0x3  }
0xd6: {  	s0 =	simm.s32 $0x1  }
0xd7: {  	v10 =	vadd.s32 s0, v8;
	v9 =	vld.idx.msk [tilespmem:v9+s14+$0x0], $0xffff  }
0xd8: {  	v10 =	vadd.s32 v5, v10;
	_ =	sdelay $0x2  }
0xd9: {  	s31 =	simm.s32 $0xD450  }
0xda: {  	s0 =	simm.s32 $0x2;
	[tilespmem:s31+$0x0] =	vst v9  }
0xdb: {  	v9 =	vld.idx.msk [tilespmem:v10+s14+$0x0], $0xffff;
	v10 =	vadd.s32 s0, v8;
	s0 =	simm.s32 $0x3  }
.LBB2_16:
0xdc: {  	p0 =	sne.s32 s0, $0x1F;
	v10 =	vadd.s32 v5, v10;
	_ =	sdelay $0x1  }
.Ltmp10:
0xdd: {  	(pc) =	sbr.rel @p0 .LBB2_16-.Ltmp10, $4  }
0xde: {  	s31 =	sadd.s32 $0x80, s31  }
0xdf: {  	[tilespmem:s31+$0x0] =	vst v9  }
0xe0: {  	v9 =	vld.idx.msk [tilespmem:v10+s14+$0x0], $0xffff  }
0xe1: {  	v10 =	vadd.s32 s0, v8;
	s0 =	sadd.s32 $0x1, s0  }
0xe2: {  	v8 =	vadd.s32 v5, v10;
	_ =	sdelay $0x2  }
0xe3: {  	s0 =	sadd.s32 $0x80, s31  }
0xe4: {  	[tilespmem:s0+$0x0] =	vst v9  }
0xe5: {  	v8 =	vld.idx.msk [tilespmem:v8+s14+$0x0], $0xffff;
	_ =	sdelay $0x3  }
0xe6: {  	s0 =	sadd.s32 $0x80, s0  }
0xe7: {  	[tilespmem:s0+$0x0] =	vst v8  }
0xe8: {  	v8 =	vld [tilespmem:s28+$0x3860];
	_ =	sdelay $0x3  }
0xe9: {  	s0 =	simm.s32 $0x0  }
0xea: {  	v9 =	vadd.s32 s0, v8  }
0xeb: {  	v9 =	vadd.s32 v6, v9;
	_ =	sdelay $0x3  }
0xec: {  	s0 =	simm.s32 $0x1  }
0xed: {  	v10 =	vadd.s32 s0, v8;
	v9 =	vld.idx.msk [tilespmem:v9+s14+$0x0], $0xffff  }
0xee: {  	v10 =	vadd.s32 v6, v10;
	_ =	sdelay $0x2  }
0xef: {  	s31 =	simm.s32 $0xD460  }
0xf0: {  	s0 =	simm.s32 $0x2;
	[tilespmem:s31+$0x0] =	vst v9  }
0xf1: {  	v9 =	vld.idx.msk [tilespmem:v10+s14+$0x0], $0xffff;
	v10 =	vadd.s32 s0, v8;
	s0 =	simm.s32 $0x3  }
.LBB2_18:
0xf2: {  	p0 =	sne.s32 s0, $0x1F;
	v10 =	vadd.s32 v6, v10;
	_ =	sdelay $0x1  }
.Ltmp11:
0xf3: {  	(pc) =	sbr.rel @p0 .LBB2_18-.Ltmp11, $4  }
0xf4: {  	s31 =	sadd.s32 $0x80, s31  }
0xf5: {  	[tilespmem:s31+$0x0] =	vst v9  }
0xf6: {  	v9 =	vld.idx.msk [tilespmem:v10+s14+$0x0], $0xffff  }
0xf7: {  	v10 =	vadd.s32 s0, v8;
	s0 =	sadd.s32 $0x1, s0  }
0xf8: {  	v8 =	vadd.s32 v6, v10;
	_ =	sdelay $0x2  }
0xf9: {  	s0 =	sadd.s32 $0x80, s31  }
0xfa: {  	[tilespmem:s0+$0x0] =	vst v9  }
0xfb: {  	v8 =	vld.idx.msk [tilespmem:v8+s14+$0x0], $0xffff;
	_ =	sdelay $0x3  }
0xfc: {  	s0 =	sadd.s32 $0x80, s0  }
0xfd: {  	[tilespmem:s0+$0x0] =	vst v8  }
0xfe: {  	v8 =	vld [tilespmem:s28+$0x3870];
	_ =	sdelay $0x3  }
0xff: {  	s0 =	simm.s32 $0x0  }
0x100: {  	v9 =	vadd.s32 s0, v8  }
0x101: {  	v9 =	vadd.s32 v7, v9;
	_ =	sdelay $0x3  }
0x102: {  	s0 =	simm.s32 $0x1  }
0x103: {  	v10 =	vadd.s32 s0, v8;
	v9 =	vld.idx.msk [tilespmem:v9+s14+$0x0], $0xffff  }
0x104: {  	v10 =	vadd.s32 v7, v10;
	_ =	sdelay $0x2  }
0x105: {  	s31 =	simm.s32 $0xD470  }
0x106: {  	s0 =	simm.s32 $0x2;
	[tilespmem:s31+$0x0] =	vst v9  }
0x107: {  	v9 =	vld.idx.msk [tilespmem:v10+s14+$0x0], $0xffff;
	v10 =	vadd.s32 s0, v8;
	s0 =	simm.s32 $0x3  }
.LBB2_20:
0x108: {  	p0 =	sne.s32 s0, $0x1F;
	v10 =	vadd.s32 v7, v10;
	_ =	sdelay $0x1  }
.Ltmp12:
0x109: {  	(pc) =	sbr.rel @p0 .LBB2_20-.Ltmp12, $4  }
0x10a: {  	s31 =	sadd.s32 $0x80, s31  }
0x10b: {  	[tilespmem:s31+$0x0] =	vst v9  }
0x10c: {  	v9 =	vld.idx.msk [tilespmem:v10+s14+$0x0], $0xffff  }
0x10d: {  	v10 =	vadd.s32 s0, v8;
	s0 =	sadd.s32 $0x1, s0  }
0x10e: {  	v8 =	vadd.s32 v7, v10;
	_ =	sdelay $0x2  }
0x10f: {  	s0 =	sadd.s32 $0x80, s31  }
0x110: {  	[tilespmem:s0+$0x0] =	vst v9  }
0x111: {  	v8 =	vld.idx.msk [tilespmem:v8+s14+$0x0], $0xffff;
	_ =	sdelay $0x1  }
0x112: {  	s31 =	sshll.u32 s26, $0x14;
	p0 =	seq.s32 s26, $0x18  }
0x113: {  	s31 =	sadd.s32 s24, s31;
	p1 =	seq.s32 @!p0 s26, $0x0  }
0x114: {  	s31 =	sshrl.u32 s31, $0x3;
	p1 =	por p0, !p1;
	s0 =	sadd.s32 $0x80, s0  }
.Ltmp13:
0x115: {  	s31 =	sadd.s32 s2, s31;
	[tilespmem:s0+$0x0] =	vst v8;
	s0 =	sshrl.u32 @!p0 s29, $0x2;
	(pc) =	sbr.rel @!p1 .LBB2_23-.Ltmp13, $4  }
0x116: {  	[hbm4b:s31+s8] =	stream.strided.scatter [tilespmem:s18], [sflag:$0x3], $0x1000, s9, s8, $0x38;
	[tilespmem:$0xF400] =	vst v63  }
0x117: {  	s29 =	simm.s32 @!p0 $0x80;
	s0 =	sadd.s32 @!p0 $0x1D00, s0;
	s31 =	simm.s32 @!p0 $0x5400  }
0x118: {  	[tilespmem:s31], [sflag:$0x1] =	stream.indirect.gather @!p0 [hbm4b:s5+s29], $0x80, s0, s29, $0xb8;
	[tilespmem:$0xF400] =	vst v63  }
0x119: {  	s29 =	sor.u32 @!p0 $0x1, s30  }
0x11a: {  	_ =	swait.ge [sflag:s22], $0x1000  }
0x11b: {  	[sflag:s22] =	ssyncset.done $0x0  }
0x11c: {  	s29 =	simm.s32 @p0 $0x31;
	[sflag:s22] =	ssyncadd.s32 $0xFFFFF000  }
.LBB2_23:
0x11d: {  	_ =	swait.ge [sflag:s19], $0x4000  }
0x11e: {  	s0 =	sshll.u32 s29, $0x9;
	[sflag:s19] =	ssyncset.done $0x0  }
0x11f: {  	s30 =	sshra.s32 s0, $0x2;
	[sflag:s19] =	ssyncadd.s32 $0xFFFFC000  }
0x120: {  	v8 =	vld [tilespmem:s30+$0x3800];
	_ =	sdelay $0x3  }
0x121: {  	s0 =	simm.s32 $0x0  }
0x122: {  	v9 =	vadd.s32 s0, v8  }
0x123: {  	v9 =	vadd.s32 v0, v9;
	_ =	sdelay $0x3  }
0x124: {  	s0 =	simm.s32 $0x1  }
0x125: {  	v10 =	vadd.s32 s0, v8;
	v9 =	vld.idx.msk [tilespmem:v9+s16+$0x0], $0xffff  }
0x126: {  	v10 =	vadd.s32 v0, v10;
	_ =	sdelay $0x2  }
0x127: {  	s31 =	simm.s32 $0xE400  }
0x128: {  	s0 =	simm.s32 $0x2;
	[tilespmem:s31+$0x0] =	vst v9  }
0x129: {  	v9 =	vld.idx.msk [tilespmem:v10+s16+$0x0], $0xffff;
	v10 =	vadd.s32 s0, v8;
	s0 =	simm.s32 $0x3  }
.LBB2_24:
0x12a: {  	p1 =	sne.s32 s0, $0x1F;
	v10 =	vadd.s32 v0, v10;
	_ =	sdelay $0x1  }
.Ltmp14:
0x12b: {  	(pc) =	sbr.rel @p1 .LBB2_24-.Ltmp14, $4  }
0x12c: {  	s31 =	sadd.s32 $0x80, s31  }
0x12d: {  	[tilespmem:s31+$0x0] =	vst v9  }
0x12e: {  	v9 =	vld.idx.msk [tilespmem:v10+s16+$0x0], $0xffff  }
0x12f: {  	v10 =	vadd.s32 s0, v8;
	s0 =	sadd.s32 $0x1, s0  }
0x130: {  	v8 =	vadd.s32 v0, v10;
	_ =	sdelay $0x2  }
0x131: {  	s0 =	sadd.s32 $0x80, s31  }
0x132: {  	[tilespmem:s0+$0x0] =	vst v9  }
0x133: {  	v8 =	vld.idx.msk [tilespmem:v8+s16+$0x0], $0xffff;
	_ =	sdelay $0x3  }
0x134: {  	s0 =	sadd.s32 $0x80, s0  }
0x135: {  	[tilespmem:s0+$0x0] =	vst v8  }
0x136: {  	v8 =	vld [tilespmem:s30+$0x3810];
	_ =	sdelay $0x3  }
0x137: {  	s0 =	simm.s32 $0x0  }
0x138: {  	v9 =	vadd.s32 s0, v8  }
0x139: {  	v9 =	vadd.s32 v1, v9;
	_ =	sdelay $0x3  }
0x13a: {  	s0 =	simm.s32 $0x1  }
0x13b: {  	v10 =	vadd.s32 s0, v8;
	v9 =	vld.idx.msk [tilespmem:v9+s16+$0x0], $0xffff  }
0x13c: {  	v10 =	vadd.s32 v1, v10;
	_ =	sdelay $0x2  }
0x13d: {  	s31 =	simm.s32 $0xE410  }
0x13e: {  	s0 =	simm.s32 $0x2;
	[tilespmem:s31+$0x0] =	vst v9  }
0x13f: {  	v9 =	vld.idx.msk [tilespmem:v10+s16+$0x0], $0xffff;
	v10 =	vadd.s32 s0, v8;
	s0 =	simm.s32 $0x3  }
.LBB2_26:
0x140: {  	p1 =	sne.s32 s0, $0x1F;
	v10 =	vadd.s32 v1, v10;
	_ =	sdelay $0x1  }
.Ltmp15:
0x141: {  	(pc) =	sbr.rel @p1 .LBB2_26-.Ltmp15, $4  }
0x142: {  	s31 =	sadd.s32 $0x80, s31  }
0x143: {  	[tilespmem:s31+$0x0] =	vst v9  }
0x144: {  	v9 =	vld.idx.msk [tilespmem:v10+s16+$0x0], $0xffff  }
0x145: {  	v10 =	vadd.s32 s0, v8;
	s0 =	sadd.s32 $0x1, s0  }
0x146: {  	v8 =	vadd.s32 v1, v10;
	_ =	sdelay $0x2  }
0x147: {  	s0 =	sadd.s32 $0x80, s31  }
0x148: {  	[tilespmem:s0+$0x0] =	vst v9  }
0x149: {  	v8 =	vld.idx.msk [tilespmem:v8+s16+$0x0], $0xffff;
	_ =	sdelay $0x3  }
0x14a: {  	s0 =	sadd.s32 $0x80, s0  }
0x14b: {  	[tilespmem:s0+$0x0] =	vst v8  }
0x14c: {  	v8 =	vld [tilespmem:s30+$0x3820];
	_ =	sdelay $0x3  }
0x14d: {  	s0 =	simm.s32 $0x0  }
0x14e: {  	v9 =	vadd.s32 s0, v8  }
0x14f: {  	v9 =	vadd.s32 v2, v9;
	_ =	sdelay $0x3  }
0x150: {  	s0 =	simm.s32 $0x1  }
0x151: {  	v10 =	vadd.s32 s0, v8;
	v9 =	vld.idx.msk [tilespmem:v9+s16+$0x0], $0xffff  }
0x152: {  	v10 =	vadd.s32 v2, v10;
	_ =	sdelay $0x2  }
0x153: {  	s31 =	simm.s32 $0xE420  }
0x154: {  	s0 =	simm.s32 $0x2;
	[tilespmem:s31+$0x0] =	vst v9  }
0x155: {  	v9 =	vld.idx.msk [tilespmem:v10+s16+$0x0], $0xffff;
	v10 =	vadd.s32 s0, v8;
	s0 =	simm.s32 $0x3  }
.LBB2_28:
0x156: {  	p1 =	sne.s32 s0, $0x1F;
	v10 =	vadd.s32 v2, v10;
	_ =	sdelay $0x1  }
.Ltmp16:
0x157: {  	(pc) =	sbr.rel @p1 .LBB2_28-.Ltmp16, $4  }
0x158: {  	s31 =	sadd.s32 $0x80, s31  }
0x159: {  	[tilespmem:s31+$0x0] =	vst v9  }
0x15a: {  	v9 =	vld.idx.msk [tilespmem:v10+s16+$0x0], $0xffff  }
0x15b: {  	v10 =	vadd.s32 s0, v8;
	s0 =	sadd.s32 $0x1, s0  }
0x15c: {  	v8 =	vadd.s32 v2, v10;
	_ =	sdelay $0x2  }
0x15d: {  	s0 =	sadd.s32 $0x80, s31  }
0x15e: {  	[tilespmem:s0+$0x0] =	vst v9  }
0x15f: {  	v8 =	vld.idx.msk [tilespmem:v8+s16+$0x0], $0xffff;
	_ =	sdelay $0x3  }
0x160: {  	s0 =	sadd.s32 $0x80, s0  }
0x161: {  	[tilespmem:s0+$0x0] =	vst v8  }
0x162: {  	v8 =	vld [tilespmem:s30+$0x3830];
	_ =	sdelay $0x3  }
0x163: {  	s0 =	simm.s32 $0x0  }
0x164: {  	v9 =	vadd.s32 s0, v8  }
0x165: {  	v9 =	vadd.s32 v3, v9;
	_ =	sdelay $0x3  }
0x166: {  	s0 =	simm.s32 $0x1  }
0x167: {  	v10 =	vadd.s32 s0, v8;
	v9 =	vld.idx.msk [tilespmem:v9+s16+$0x0], $0xffff  }
0x168: {  	v10 =	vadd.s32 v3, v10;
	_ =	sdelay $0x2  }
0x169: {  	s31 =	simm.s32 $0xE430  }
0x16a: {  	s0 =	simm.s32 $0x2;
	[tilespmem:s31+$0x0] =	vst v9  }
0x16b: {  	v9 =	vld.idx.msk [tilespmem:v10+s16+$0x0], $0xffff;
	v10 =	vadd.s32 s0, v8;
	s0 =	simm.s32 $0x3  }
.LBB2_30:
0x16c: {  	p1 =	sne.s32 s0, $0x1F;
	v10 =	vadd.s32 v3, v10;
	_ =	sdelay $0x1  }
.Ltmp17:
0x16d: {  	(pc) =	sbr.rel @p1 .LBB2_30-.Ltmp17, $4  }
0x16e: {  	s31 =	sadd.s32 $0x80, s31  }
0x16f: {  	[tilespmem:s31+$0x0] =	vst v9  }
0x170: {  	v9 =	vld.idx.msk [tilespmem:v10+s16+$0x0], $0xffff  }
0x171: {  	v10 =	vadd.s32 s0, v8;
	s0 =	sadd.s32 $0x1, s0  }
0x172: {  	v8 =	vadd.s32 v3, v10;
	_ =	sdelay $0x2  }
0x173: {  	s0 =	sadd.s32 $0x80, s31  }
0x174: {  	[tilespmem:s0+$0x0] =	vst v9  }
0x175: {  	v8 =	vld.idx.msk [tilespmem:v8+s16+$0x0], $0xffff;
	_ =	sdelay $0x3  }
0x176: {  	s0 =	sadd.s32 $0x80, s0  }
0x177: {  	[tilespmem:s0+$0x0] =	vst v8  }
0x178: {  	v8 =	vld [tilespmem:s30+$0x3840];
	_ =	sdelay $0x3  }
0x179: {  	s0 =	simm.s32 $0x0  }
0x17a: {  	v9 =	vadd.s32 s0, v8  }
0x17b: {  	v9 =	vadd.s32 v4, v9;
	_ =	sdelay $0x3  }
0x17c: {  	s0 =	simm.s32 $0x1  }
0x17d: {  	v10 =	vadd.s32 s0, v8;
	v9 =	vld.idx.msk [tilespmem:v9+s16+$0x0], $0xffff  }
0x17e: {  	v10 =	vadd.s32 v4, v10;
	_ =	sdelay $0x2  }
0x17f: {  	s31 =	simm.s32 $0xE440  }
0x180: {  	s0 =	simm.s32 $0x2;
	[tilespmem:s31+$0x0] =	vst v9  }
0x181: {  	v9 =	vld.idx.msk [tilespmem:v10+s16+$0x0], $0xffff;
	v10 =	vadd.s32 s0, v8;
	s0 =	simm.s32 $0x3  }
.LBB2_32:
0x182: {  	p1 =	sne.s32 s0, $0x1F;
	v10 =	vadd.s32 v4, v10;
	_ =	sdelay $0x1  }
.Ltmp18:
0x183: {  	(pc) =	sbr.rel @p1 .LBB2_32-.Ltmp18, $4  }
0x184: {  	s31 =	sadd.s32 $0x80, s31  }
0x185: {  	[tilespmem:s31+$0x0] =	vst v9  }
0x186: {  	v9 =	vld.idx.msk [tilespmem:v10+s16+$0x0], $0xffff  }
0x187: {  	v10 =	vadd.s32 s0, v8;
	s0 =	sadd.s32 $0x1, s0  }
0x188: {  	v8 =	vadd.s32 v4, v10;
	_ =	sdelay $0x2  }
0x189: {  	s0 =	sadd.s32 $0x80, s31  }
0x18a: {  	[tilespmem:s0+$0x0] =	vst v9  }
0x18b: {  	v8 =	vld.idx.msk [tilespmem:v8+s16+$0x0], $0xffff;
	_ =	sdelay $0x3  }
0x18c: {  	s0 =	sadd.s32 $0x80, s0  }
0x18d: {  	[tilespmem:s0+$0x0] =	vst v8  }
0x18e: {  	v8 =	vld [tilespmem:s30+$0x3850];
	_ =	sdelay $0x3  }
0x18f: {  	s0 =	simm.s32 $0x0  }
0x190: {  	v9 =	vadd.s32 s0, v8  }
0x191: {  	v9 =	vadd.s32 v5, v9;
	_ =	sdelay $0x3  }
0x192: {  	s0 =	simm.s32 $0x1  }
0x193: {  	v10 =	vadd.s32 s0, v8;
	v9 =	vld.idx.msk [tilespmem:v9+s16+$0x0], $0xffff  }
0x194: {  	v10 =	vadd.s32 v5, v10;
	_ =	sdelay $0x2  }
0x195: {  	s31 =	simm.s32 $0xE450  }
0x196: {  	s0 =	simm.s32 $0x2;
	[tilespmem:s31+$0x0] =	vst v9  }
0x197: {  	v9 =	vld.idx.msk [tilespmem:v10+s16+$0x0], $0xffff;
	v10 =	vadd.s32 s0, v8;
	s0 =	simm.s32 $0x3  }
.LBB2_34:
0x198: {  	p1 =	sne.s32 s0, $0x1F;
	v10 =	vadd.s32 v5, v10;
	_ =	sdelay $0x1  }
.Ltmp19:
0x199: {  	(pc) =	sbr.rel @p1 .LBB2_34-.Ltmp19, $4  }
0x19a: {  	s31 =	sadd.s32 $0x80, s31  }
0x19b: {  	[tilespmem:s31+$0x0] =	vst v9  }
0x19c: {  	v9 =	vld.idx.msk [tilespmem:v10+s16+$0x0], $0xffff  }
0x19d: {  	v10 =	vadd.s32 s0, v8;
	s0 =	sadd.s32 $0x1, s0  }
0x19e: {  	v8 =	vadd.s32 v5, v10;
	_ =	sdelay $0x2  }
0x19f: {  	s0 =	sadd.s32 $0x80, s31  }
0x1a0: {  	[tilespmem:s0+$0x0] =	vst v9  }
0x1a1: {  	v8 =	vld.idx.msk [tilespmem:v8+s16+$0x0], $0xffff;
	_ =	sdelay $0x3  }
0x1a2: {  	s0 =	sadd.s32 $0x80, s0  }
0x1a3: {  	[tilespmem:s0+$0x0] =	vst v8  }
0x1a4: {  	v8 =	vld [tilespmem:s30+$0x3860];
	_ =	sdelay $0x3  }
0x1a5: {  	s0 =	simm.s32 $0x0  }
0x1a6: {  	v9 =	vadd.s32 s0, v8  }
0x1a7: {  	v9 =	vadd.s32 v6, v9;
	_ =	sdelay $0x3  }
0x1a8: {  	s0 =	simm.s32 $0x1  }
0x1a9: {  	v10 =	vadd.s32 s0, v8;
	v9 =	vld.idx.msk [tilespmem:v9+s16+$0x0], $0xffff  }
0x1aa: {  	v10 =	vadd.s32 v6, v10;
	_ =	sdelay $0x2  }
0x1ab: {  	s31 =	simm.s32 $0xE460  }
0x1ac: {  	s0 =	simm.s32 $0x2;
	[tilespmem:s31+$0x0] =	vst v9  }
0x1ad: {  	v9 =	vld.idx.msk [tilespmem:v10+s16+$0x0], $0xffff;
	v10 =	vadd.s32 s0, v8;
	s0 =	simm.s32 $0x3  }
.LBB2_36:
0x1ae: {  	p1 =	sne.s32 s0, $0x1F;
	v10 =	vadd.s32 v6, v10;
	_ =	sdelay $0x1  }
.Ltmp20:
0x1af: {  	(pc) =	sbr.rel @p1 .LBB2_36-.Ltmp20, $4  }
0x1b0: {  	s31 =	sadd.s32 $0x80, s31  }
0x1b1: {  	[tilespmem:s31+$0x0] =	vst v9  }
0x1b2: {  	v9 =	vld.idx.msk [tilespmem:v10+s16+$0x0], $0xffff  }
0x1b3: {  	v10 =	vadd.s32 s0, v8;
	s0 =	sadd.s32 $0x1, s0  }
0x1b4: {  	v8 =	vadd.s32 v6, v10;
	_ =	sdelay $0x2  }
0x1b5: {  	s0 =	sadd.s32 $0x80, s31  }
0x1b6: {  	[tilespmem:s0+$0x0] =	vst v9  }
0x1b7: {  	v8 =	vld.idx.msk [tilespmem:v8+s16+$0x0], $0xffff;
	_ =	sdelay $0x3  }
0x1b8: {  	s0 =	sadd.s32 $0x80, s0  }
0x1b9: {  	[tilespmem:s0+$0x0] =	vst v8  }
0x1ba: {  	v8 =	vld [tilespmem:s30+$0x3870];
	_ =	sdelay $0x3  }
0x1bb: {  	s31 =	simm.s32 $0x0  }
0x1bc: {  	v9 =	vadd.s32 s31, v8  }
0x1bd: {  	v9 =	vadd.s32 v7, v9;
	_ =	sdelay $0x3  }
0x1be: {  	s31 =	simm.s32 $0x1  }
0x1bf: {  	v10 =	vadd.s32 s31, v8;
	v9 =	vld.idx.msk [tilespmem:v9+s16+$0x0], $0xffff  }
0x1c0: {  	v10 =	vadd.s32 v7, v10;
	_ =	sdelay $0x2  }
0x1c1: {  	s30 =	simm.s32 $0xE470  }
0x1c2: {  	s31 =	simm.s32 $0x2;
	[tilespmem:s30+$0x0] =	vst v9  }
0x1c3: {  	s0 =	simm.s32 $0x3;
	v9 =	vld.idx.msk [tilespmem:v10+s16+$0x0], $0xffff;
	v10 =	vadd.s32 s31, v8  }
.LBB2_38:
0x1c4: {  	p1 =	sne.s32 s0, $0x1F;
	v10 =	vadd.s32 v7, v10;
	_ =	sdelay $0x1  }
.Ltmp21:
0x1c5: {  	(pc) =	sbr.rel @p1 .LBB2_38-.Ltmp21, $4  }
0x1c6: {  	s30 =	sadd.s32 $0x80, s30  }
0x1c7: {  	[tilespmem:s30+$0x0] =	vst v9  }
0x1c8: {  	v9 =	vld.idx.msk [tilespmem:v10+s16+$0x0], $0xffff  }
0x1c9: {  	v10 =	vadd.s32 s0, v8;
	s0 =	sadd.s32 $0x1, s0  }
0x1ca: {  	v8 =	vadd.s32 v7, v10;
	_ =	sdelay $0x2  }
0x1cb: {  	s0 =	sadd.s32 $0x80, s30  }
0x1cc: {  	[tilespmem:s0+$0x0] =	vst v9  }
0x1cd: {  	v8 =	vld.idx.msk [tilespmem:v8+s16+$0x0], $0xffff;
	_ =	sdelay $0x1  }
.Ltmp22:
0x1ce: {  	s29 =	sshll.u32 s29, $0x13;
	(pc) =	sbr.rel @p0 .LBB2_41-.Ltmp22, $4  }
0x1cf: {  	s29 =	sadd.s32 s24, s29  }
0x1d0: {  	s29 =	sshrl.u32 s29, $0x3;
	s0 =	sadd.s32 $0x80, s0  }
0x1d1: {  	s31 =	sadd.s32 s2, s29;
	[tilespmem:s0+$0x0] =	vst v8  }
0x1d2: {  	[hbm4b:s31+s8] =	stream.strided.scatter [tilespmem:s20], [sflag:$0x4], $0x1000, s9, s8, $0x38;
	[tilespmem:$0xF400] =	vst v63  }
.Ltmp23:
0x1d3: {  	(pc) =	sbr.rel .LBB2_5-.Ltmp23, $3  }
0x1d4: {  	_ =	sdelay $0x1  }
0x1d5: {  	s0 =	sadd.s32 $0x1D80, s28;
	s26 =	sadd.s32 $0x1, s26  }
0x1d6: {  	[tilespmem:s16], [sflag:$0x2] =	stream.indirect.gather [hbm4b:s5+s12], $0x80, s0, s12, $0xb8;
	[tilespmem:$0xF400] =	vst v63  }
.LBB2_43:
0x1d7: {  	_ =	sfence.sel $0x180000  }
0x1d8: {  	[bflag:$0x0] =	sbarrier.arrive $0xFFFF  }
0x1d9: {  	_ =	strace $0x90000047  }
0x1da: {  	[bflag:$0x2] =	sbarrier.arrive $0xFFFF  }
0x1db: {  	p0 =	sne.s32 s4, $0x0;
	s0 =	rddreg [dreg:$0x3]  }
0x1dc: {  	s0 =	sadd.s32 @!p0 $0x100000, s0  }
0x1dd: {  	[sflag:s0] =	ssyncadd.tile.s32 @!p0 $0x1;
	_ =	shalt  }
.Lfunc_end2:
_tile_overlayer_lowered:
.L_overlay_start_2:
0x1de: {  	(tag) =	ssettag $0x2  }
0x1df: {  	s0 =	rddreg [dreg:$0x0];
	s2 =	stileid.u32  }
0x1e0: {  	s1 =	rddreg [dreg:$0x1];
	p0 =	sne.s32 s2, $0x0  }
0x1e1: {  	s3 =	rddreg [dreg:$0x2];
	[bflag:$0x3] =	sbarrier.arrive $0xFFFF;
	s2 =	simm.s32 @!p0 $0x1C05  }
0x1e2: {  	[timem:s3], [sflag:s2] =	dma.local @!p0 [hbm:s0], s1  }
0x1e3: {  	s0 =	simm.s32 @!p0 $0x5  }
0x1e4: {  	_ =	swait.ge @!p0 [sflag:s0], s1  }
0x1e5: {  	s1 =	ssub.s32 @!p0 $0x0, s1;
	[sflag:s0] =	ssyncset.done @!p0 $0x0  }
0x1e6: {  	[sflag:s0] =	ssyncadd.s32 @!p0 s1  }
0x1e7: {  	[bflag:$0x3] =	sbarrier.arrive $0xFFFF  }
0x1e8: {  	_ =	shalt  }

</sc_bundles>
